<compile_context>
chip_gen: v7x
topology: tpu7x:2x2x1
jax: 0.10.2.dev20260603
libtpu: 0.0.44.dev20260713+nightly
codegen_flags: <defaults>
</compile_context>

<pallas_src>
import functools

import jax
import jax.numpy as jnp
from jax import lax
from jax.experimental import pallas as pl
from jax.experimental.pallas import tpu as pltpu
from jax.experimental.pallas import tpu_sc as plsc

NC = 2
NS = 16
NW = NC * NS
K = 80


def _deg_kernel(E, NP):
    ept = E // NW
    nit = ept // K
    sl = NP // NS
    mesh = plsc.VectorSubcoreMesh(core_axis_name="c", subcore_axis_name="s")

    @functools.partial(
        pl.kernel,
        mesh=mesh,
        out_type=jax.ShapeDtypeStruct((NS, NC, NP // NS), jnp.float32),
        scratch_types=[
            pltpu.VMEM((nit, K), jnp.int32),
            pltpu.VMEM((K,), jnp.float32),
            pltpu.VMEM_SHARED((NP,), jnp.float32),
            pltpu.SemaphoreType.DMA,
        ],
    )
    def deg_k(row_hbm, zeros_hbm, out_hbm, idx_v, ones_v, deg_sp, sem):
        c = lax.axis_index("c")
        s = lax.axis_index("s")
        w = c * NS + s
        pltpu.sync_copy(row_hbm.at[w], idx_v)
        pltpu.sync_copy(zeros_hbm, deg_sp.at[pl.ds(s * sl, sl)])
        for i in range(K // 16):
            ones_v[pl.ds(i * 16, 16)] = jnp.full((16,), 1.0, jnp.float32)
        plsc.subcore_barrier()

        pltpu.async_copy(ones_v, deg_sp.at[idx_v.at[0]], sem, add=True)

        def body(it, carry):
            pltpu.async_copy(ones_v, deg_sp.at[idx_v.at[it + 1]], sem, add=True)
            pltpu.make_async_copy(ones_v, deg_sp.at[idx_v.at[it]], sem).wait()
            return carry

        lax.fori_loop(0, nit - 1, body, 0)
        pltpu.make_async_copy(ones_v, deg_sp.at[idx_v.at[nit - 1]], sem).wait()
        plsc.subcore_barrier()
        pltpu.sync_copy(deg_sp.at[pl.ds(s * sl, sl)], out_hbm.at[s, c])

    return deg_k


def _agg_kernel(E, N, NP, D):
    ept = E // NW
    nit = ept // K
    sl = NP // NS
    mesh = plsc.VectorSubcoreMesh(core_axis_name="c", subcore_axis_name="s")

    assert nit % 3 == 2

    @functools.partial(
        pl.kernel,
        mesh=mesh,
        out_type=jax.ShapeDtypeStruct((NC, NP, D), jnp.float32),
        scratch_types=[
            pltpu.VMEM((2, K), jnp.int32),
            pltpu.VMEM((2, K), jnp.int32),
            pltpu.VMEM((2, K), jnp.int32),
            pltpu.VMEM((K,), jnp.int32),
            pltpu.VMEM((K,), jnp.int32),
            pltpu.VMEM((K,), jnp.int32),
            pltpu.VMEM((K, D), jnp.float32),
            pltpu.VMEM((K, D), jnp.float32),
            pltpu.VMEM((K, D), jnp.float32),
            pltpu.VMEM_SHARED((NP, D), jnp.float32),
            pltpu.SemaphoreType.DMA,
            pltpu.SemaphoreType.DMA,
            pltpu.SemaphoreType.DMA,
            pltpu.SemaphoreType.DMA,
            pltpu.SemaphoreType.DMA,
            pltpu.SemaphoreType.DMA,
            pltpu.SemaphoreType.DMA,
            pltpu.SemaphoreType.DMA,
            pltpu.SemaphoreType.DMA,
            pltpu.SemaphoreType.DMA,
        ],
    )
    def agg_k(cr_hbm, xs_hbm, zeros_hbm, out_hbm,
              cr0, cr1, cr2, sb0, sb1, sb2, m0, m1, m2, acc_sp,
              g0, g1, g2, i0, i1, i2, j0, j1, j2, ssem):
        c = lax.axis_index("c")
        s = lax.axis_index("s")
        w = c * NS + s
        pltpu.sync_copy(zeros_hbm, acc_sp.at[pl.ds(s * sl, sl)])
        plsc.subcore_barrier()

        B0, B1, B2 = (cr0, i0), (cr1, i1), (cr2, i2)
        S0, S1, S2 = (sb0, j0), (sb1, j1), (sb2, j2)
        M0, M1, M2 = (m0, g0), (m1, g1), (m2, g2)

        def iload(it, cr):
            pltpu.async_copy(cr_hbm.at[w, it], cr[0], cr[1])

        def iwait(it, cr):
            pltpu.make_async_copy(cr_hbm.at[w, it], cr[0], cr[1]).wait()

        def sload(it, sb):
            pltpu.async_copy(cr_hbm.at[w, it, 0], sb[0], sb[1])

        def swaiti(it, sb):
            pltpu.make_async_copy(cr_hbm.at[w, it, 0], sb[0], sb[1]).wait()

        def gather(it, cr, m):
            pltpu.async_copy(xs_hbm.at[cr[0].at[1]], m[0], m[1])

        def gwait(it, cr, m):
            pltpu.make_async_copy(xs_hbm.at[cr[0].at[1]], m[0], m[1]).wait()

        def scat(sb, m):
            pltpu.async_copy(m[0], acc_sp.at[sb[0]], ssem, add=True)

        def sdrain(sb, m):
            pltpu.make_async_copy(m[0], acc_sp.at[sb[0]], ssem).wait()

        iload(0, B0)
        sload(0, S0)
        iload(1, B1)
        sload(1, S1)
        iload(2, B2)
        iwait(0, B0)
        gather(0, B0, M0)
        iwait(1, B1)
        gather(1, B1, M1)

        def body(t, carry):
            a = 3 * t

            def sub(cc, B, S, M, Bn, Sn, Mn):
                gwait(cc, B, M)
                swaiti(cc, S)
                scat(S, M)

                @pl.when(cc > 0)
                def _():
                    sdrain(S, M)

                @pl.when(cc + 2 < nit)
                def _():
                    sload(cc + 2, Sn)
                    iwait(cc + 2, Bn)
                    gather(cc + 2, Bn, Mn)

                @pl.when(cc + 3 < nit)
                def _():
                    iload(cc + 3, B)

            sub(a, B0, S0, M0, B2, S2, M2)
            sub(a + 1, B1, S1, M1, B0, S0, M0)
            sub(a + 2, B2, S2, M2, B1, S1, M1)
            return carry

        lax.fori_loop(0, (nit - 2) // 3, body, 0)
        gwait(nit - 2, B0, M0)
        swaiti(nit - 2, S0)
        scat(S0, M0)
        sdrain(S0, M0)
        gwait(nit - 1, B1, M1)
        swaiti(nit - 1, S1)
        scat(S1, M1)
        sdrain(S1, M1)
        sdrain(S1, M1)
        plsc.subcore_barrier()
        pltpu.sync_copy(acc_sp.at[pl.ds(s * sl, sl)],
                        out_hbm.at[c, pl.ds(s * sl, sl)])

    return agg_k


def _scale_body(dp_ref, v_ref, o_ref):
    dp = dp_ref[0]
    deg = dp[0] + dp[1]
    dinv = jnp.where(deg > 0.0, lax.rsqrt(deg), 0.0)
    v = v_ref[...]
    agg = v[0] if v.shape[0] == 1 else v[0] + v[1]
    o_ref[...] = agg * dinv[:, None]


def _scale_call(dp3, v, n_out, d):
    nb, _, rb = dp3.shape
    p = v.shape[0]
    return pl.pallas_call(
        _scale_body,
        grid=(nb,),
        in_specs=[
            pl.BlockSpec((1, 2, rb), lambda i: (i, 0, 0)),
            pl.BlockSpec((p, rb, d), lambda i: (0, i, 0)),
        ],
        out_specs=pl.BlockSpec((rb, d), lambda i: (i, 0)),
        out_shape=jax.ShapeDtypeStruct((n_out, d), jnp.float32),
    )(dp3, v)


@jax.jit
def kernel(x, edge_index):
    N, D = x.shape
    E = edge_index.shape[1]
    NP = 10240
    ept = E // NW
    nit = ept // K
    row3 = edge_index[0].reshape(NW, nit, K)
    cr4 = edge_index.reshape(2, NW, nit, K).transpose(1, 2, 0, 3)

    zeros1 = jnp.zeros((NP // NS,), jnp.float32)
    zeros2 = jnp.zeros((NP // NS, D), jnp.float32)

    dp3 = _deg_kernel(E, NP)(row3, zeros1)
    xs = _scale_call(dp3, x.reshape(1, N, D), NP, D)
    parts = _agg_kernel(E, N, NP, D)(cr4, xs, zeros2)
    out = _scale_call(dp3, parts, N, D)
    return out

# --- scband reference (transcript-rebuilt; emitter-appended) ---
"""Pipeline reference for scband-light-gcnconv-28089086116173 (READ-ONLY COPY).

The authoritative reference and input builder live on the scoring server;
editing this copy changes nothing except your own understanding.
"""

import jax, jax.numpy as jnp
import numpy as np

N = 10000
E = 320000
D = 128

def setup_inputs(seed: int = 0) -> dict:
    key = jax.random.key(seed)
    k1, k2 = jax.random.split(key)
    x = jax.random.normal(k1, (N, D), dtype=jnp.float32)
    edge_index = jax.random.randint(k2, (2, E), 0, N, dtype=jnp.int32)
    return {"x": x, "edge_index": edge_index}

def reference(x, edge_index):
    row = edge_index[0]
    col = edge_index[1]
    # degree: scatter-add of ones over row indices (row-sum of adjacency)
    deg = jax.ops.segment_sum(jnp.ones((E,), dtype=x.dtype), row, num_segments=N)
    deg_inv_sqrt = jnp.power(deg, -0.5)
    deg_inv_sqrt = jnp.where(jnp.isinf(deg_inv_sqrt), 0.0, deg_inv_sqrt)
    norm = deg_inv_sqrt[row] * deg_inv_sqrt[col]
    # sparse.mm: out[i] = sum_{e: row[e]==i} norm[e] * x[col[e]]
    messages = norm[:, None] * jnp.take(x, col, axis=0)
    out = jax.ops.segment_sum(messages, row, num_segments=N)
    return out

if __name__ == "__main__":
    import jax
    _d = setup_inputs()
    print(jax.jit(kernel)(*tuple(_d.values())))

</pallas_src>

<mosaic_0001>
#map = affine_map<(d0, d1) -> (0, 0, 0, 0)>
#map1 = affine_map<(d0, d1) -> (0, 0)>
#map2 = affine_map<(d0, d1) -> (0, 0, 0)>
module attributes {stable_mosaic.version = 14 : i64} {
  func.func @agg_k(%arg0: i32, %arg1: i32, %arg2: memref<32x125x2x80xi32, #tpu.memory_space<hbm>>, %arg3: memref<10240x128xf32, #tpu.memory_space<hbm>>, %arg4: memref<640x128xf32, #tpu.memory_space<hbm>>, %arg5: memref<2x10240x128xf32, #tpu.memory_space<hbm>>, %arg6: memref<2x80xi32, #tpu.memory_space<vmem>>, %arg7: memref<2x80xi32, #tpu.memory_space<vmem>>, %arg8: memref<2x80xi32, #tpu.memory_space<vmem>>, %arg9: memref<80xi32, #tpu.memory_space<vmem>>, %arg10: memref<80xi32, #tpu.memory_space<vmem>>, %arg11: memref<80xi32, #tpu.memory_space<vmem>>, %arg12: memref<80x128xf32, #tpu.memory_space<vmem>>, %arg13: memref<80x128xf32, #tpu.memory_space<vmem>>, %arg14: memref<80x128xf32, #tpu.memory_space<vmem>>, %arg15: memref<10240x128xf32, #tpu.memory_space<vmem_shared>>, %arg16: memref<!tpu.dma_semaphore, #tpu.memory_space<semaphore_mem>>, %arg17: memref<!tpu.dma_semaphore, #tpu.memory_space<semaphore_mem>>, %arg18: memref<!tpu.dma_semaphore, #tpu.memory_space<semaphore_mem>>, %arg19: memref<!tpu.dma_semaphore, #tpu.memory_space<semaphore_mem>>, %arg20: memref<!tpu.dma_semaphore, #tpu.memory_space<semaphore_mem>>, %arg21: memref<!tpu.dma_semaphore, #tpu.memory_space<semaphore_mem>>, %arg22: memref<!tpu.dma_semaphore, #tpu.memory_space<semaphore_mem>>, %arg23: memref<!tpu.dma_semaphore, #tpu.memory_space<semaphore_mem>>, %arg24: memref<!tpu.dma_semaphore, #tpu.memory_space<semaphore_mem>>, %arg25: memref<!tpu.dma_semaphore, #tpu.memory_space<semaphore_mem>>) attributes {dimension_semantics = [#tpu.dimension_semantics<core_parallel>, #tpu.dimension_semantics<subcore_parallel>], iteration_bounds = array<i64: 2, 16>, scalar_prefetch = 0 : i64, scratch_operands = 20 : i64, tpu.core_type = #tpu.core_type<sc_vector_subcore>, window_params = [{transform_indices = #map}, {transform_indices = #map1}, {transform_indices = #map1}, {transform_indices = #map2}]} {
    %mul3A = arith.constant 16 : i32
    %mul3A_0 = arith.muli %arg0, %mul3A : i32
    %add3A = arith.addi %mul3A_0, %arg1 : i32
    %mul3A_1 = arith.constant 640 : i32
    %mul3A_2 = arith.muli %arg1, %mul3A_1 : i32
    "tpu.region"() ({
      %run_scoped3A = tpu.sem_alloc : memref<!tpu.dma_semaphore, #tpu.memory_space<semaphore_mem>>
      %dma_start3A_131 = arith.constant 0 : i32
      %dma_start3A_132 = tpu.memref_slice %arg15[%mul3A_2, %dma_start3A_131] : memref<10240x128xf32, #tpu.memory_space<vmem_shared>> -> memref<640x128xf32, #tpu.memory_space<vmem_shared>>
      tpu.enqueue_dma source(%arg4 : memref<640x128xf32, #tpu.memory_space<hbm>>) target(%dma_start3A_132 : memref<640x128xf32, #tpu.memory_space<vmem_shared>>) target_semaphore(%run_scoped3A : memref<!tpu.dma_semaphore, #tpu.memory_space<semaphore_mem>>)
      %dma_wait3A_133 = arith.constant 0 : i32
      %dma_wait3A_134 = tpu.memref_slice %arg15[%mul3A_2, %dma_wait3A_133] : memref<10240x128xf32, #tpu.memory_space<vmem_shared>> -> memref<640x128xf32, #tpu.memory_space<vmem_shared>>
      tpu.wait_dma2 semaphore(%run_scoped3A : memref<!tpu.dma_semaphore, #tpu.memory_space<semaphore_mem>>) src(%arg4 : memref<640x128xf32, #tpu.memory_space<hbm>>) dst(%dma_wait3A_134 : memref<640x128xf32, #tpu.memory_space<vmem_shared>>)
      tpu.yield
    }) : () -> ()
    %barrier3A = arith.constant 0 : index
    tpu.barrier barrier_id(%barrier3A)
    %dma_start3A = arith.constant 0 : i32
    %dma_start3A_3 = arith.constant 0 : i32
    %dma_start3A_4 = arith.constant 0 : i32
    %dma_start3A_5 = tpu.memref_slice %arg2[%add3A, %dma_start3A, %dma_start3A_3, %dma_start3A_4] : memref<32x125x2x80xi32, #tpu.memory_space<hbm>> -> memref<1x1x2x80xi32, #tpu.memory_space<hbm>>
    %dma_start3A_6 = tpu.memref_squeeze %dma_start3A_5 : memref<1x1x2x80xi32, #tpu.memory_space<hbm>> -> memref<2x80xi32, #tpu.memory_space<hbm>>
    %dma_start3A_7 = arith.constant 0 : i32
    %dma_start3A_8 = arith.constant 0 : i32
    %dma_start3A_9 = tpu.memref_slice %arg2[%add3A, %dma_start3A, %dma_start3A_7, %dma_start3A_8] : memref<32x125x2x80xi32, #tpu.memory_space<hbm>> -> memref<1x1x2x80xi32, #tpu.memory_space<hbm>>
    %dma_start3A_10 = tpu.memref_squeeze %dma_start3A_9 : memref<1x1x2x80xi32, #tpu.memory_space<hbm>> -> memref<2x80xi32, #tpu.memory_space<hbm>>
    tpu.enqueue_dma source(%dma_start3A_10 : memref<2x80xi32, #tpu.memory_space<hbm>>) target(%arg6 : memref<2x80xi32, #tpu.memory_space<vmem>>) target_semaphore(%arg19 : memref<!tpu.dma_semaphore, #tpu.memory_space<semaphore_mem>>)
    %dma_start3A_11 = arith.constant 0 : i32
    %dma_start3A_12 = arith.constant 0 : i32
    %dma_start3A_13 = arith.constant 0 : i32
    %dma_start3A_14 = tpu.memref_slice %arg2[%add3A, %dma_start3A_11, %dma_start3A_12, %dma_start3A_13] : memref<32x125x2x80xi32, #tpu.memory_space<hbm>> -> memref<1x1x1x80xi32, #tpu.memory_space<hbm>>
    %dma_start3A_15 = tpu.memref_squeeze %dma_start3A_14 : memref<1x1x1x80xi32, #tpu.memory_space<hbm>> -> memref<80xi32, #tpu.memory_space<hbm>>
    %dma_start3A_16 = arith.constant 0 : i32
    %dma_start3A_17 = tpu.memref_slice %arg2[%add3A, %dma_start3A_11, %dma_start3A_12, %dma_start3A_16] : memref<32x125x2x80xi32, #tpu.memory_space<hbm>> -> memref<1x1x1x80xi32, #tpu.memory_space<hbm>>
    %dma_start3A_18 = tpu.memref_squeeze %dma_start3A_17 : memref<1x1x1x80xi32, #tpu.memory_space<hbm>> -> memref<80xi32, #tpu.memory_space<hbm>>
    tpu.enqueue_dma source(%dma_start3A_18 : memref<80xi32, #tpu.memory_space<hbm>>) target(%arg9 : memref<80xi32, #tpu.memory_space<vmem>>) target_semaphore(%arg22 : memref<!tpu.dma_semaphore, #tpu.memory_space<semaphore_mem>>)
    %dma_start3A_19 = arith.constant 1 : i32
    %dma_start3A_20 = arith.constant 0 : i32
    %dma_start3A_21 = arith.constant 0 : i32
    %dma_start3A_22 = tpu.memref_slice %arg2[%add3A, %dma_start3A_19, %dma_start3A_20, %dma_start3A_21] : memref<32x125x2x80xi32, #tpu.memory_space<hbm>> -> memref<1x1x2x80xi32, #tpu.memory_space<hbm>>
    %dma_start3A_23 = tpu.memref_squeeze %dma_start3A_22 : memref<1x1x2x80xi32, #tpu.memory_space<hbm>> -> memref<2x80xi32, #tpu.memory_space<hbm>>
    %dma_start3A_24 = arith.constant 0 : i32
    %dma_start3A_25 = arith.constant 0 : i32
    %dma_start3A_26 = tpu.memref_slice %arg2[%add3A, %dma_start3A_19, %dma_start3A_24, %dma_start3A_25] : memref<32x125x2x80xi32, #tpu.memory_space<hbm>> -> memref<1x1x2x80xi32, #tpu.memory_space<hbm>>
    %dma_start3A_27 = tpu.memref_squeeze %dma_start3A_26 : memref<1x1x2x80xi32, #tpu.memory_space<hbm>> -> memref<2x80xi32, #tpu.memory_space<hbm>>
    tpu.enqueue_dma source(%dma_start3A_27 : memref<2x80xi32, #tpu.memory_space<hbm>>) target(%arg7 : memref<2x80xi32, #tpu.memory_space<vmem>>) target_semaphore(%arg20 : memref<!tpu.dma_semaphore, #tpu.memory_space<semaphore_mem>>)
    %dma_start3A_28 = arith.constant 1 : i32
    %dma_start3A_29 = arith.constant 0 : i32
    %dma_start3A_30 = arith.constant 0 : i32
    %dma_start3A_31 = tpu.memref_slice %arg2[%add3A, %dma_start3A_28, %dma_start3A_29, %dma_start3A_30] : memref<32x125x2x80xi32, #tpu.memory_space<hbm>> -> memref<1x1x1x80xi32, #tpu.memory_space<hbm>>
    %dma_start3A_32 = tpu.memref_squeeze %dma_start3A_31 : memref<1x1x1x80xi32, #tpu.memory_space<hbm>> -> memref<80xi32, #tpu.memory_space<hbm>>
    %dma_start3A_33 = arith.constant 0 : i32
    %dma_start3A_34 = tpu.memref_slice %arg2[%add3A, %dma_start3A_28, %dma_start3A_29, %dma_start3A_33] : memref<32x125x2x80xi32, #tpu.memory_space<hbm>> -> memref<1x1x1x80xi32, #tpu.memory_space<hbm>>
    %dma_start3A_35 = tpu.memref_squeeze %dma_start3A_34 : memref<1x1x1x80xi32, #tpu.memory_space<hbm>> -> memref<80xi32, #tpu.memory_space<hbm>>
    tpu.enqueue_dma source(%dma_start3A_35 : memref<80xi32, #tpu.memory_space<hbm>>) target(%arg10 : memref<80xi32, #tpu.memory_space<vmem>>) target_semaphore(%arg23 : memref<!tpu.dma_semaphore, #tpu.memory_space<semaphore_mem>>)
    %dma_start3A_36 = arith.constant 2 : i32
    %dma_start3A_37 = arith.constant 0 : i32
    %dma_start3A_38 = arith.constant 0 : i32
    %dma_start3A_39 = tpu.memref_slice %arg2[%add3A, %dma_start3A_36, %dma_start3A_37, %dma_start3A_38] : memref<32x125x2x80xi32, #tpu.memory_space<hbm>> -> memref<1x1x2x80xi32, #tpu.memory_space<hbm>>
    %dma_start3A_40 = tpu.memref_squeeze %dma_start3A_39 : memref<1x1x2x80xi32, #tpu.memory_space<hbm>> -> memref<2x80xi32, #tpu.memory_space<hbm>>
    %dma_start3A_41 = arith.constant 0 : i32
    %dma_start3A_42 = arith.constant 0 : i32
    %dma_start3A_43 = tpu.memref_slice %arg2[%add3A, %dma_start3A_36, %dma_start3A_41, %dma_start3A_42] : memref<32x125x2x80xi32, #tpu.memory_space<hbm>> -> memref<1x1x2x80xi32, #tpu.memory_space<hbm>>
    %dma_start3A_44 = tpu.memref_squeeze %dma_start3A_43 : memref<1x1x2x80xi32, #tpu.memory_space<hbm>> -> memref<2x80xi32, #tpu.memory_space<hbm>>
    tpu.enqueue_dma source(%dma_start3A_44 : memref<2x80xi32, #tpu.memory_space<hbm>>) target(%arg8 : memref<2x80xi32, #tpu.memory_space<vmem>>) target_semaphore(%arg21 : memref<!tpu.dma_semaphore, #tpu.memory_space<semaphore_mem>>)
    %dma_wait3A = arith.constant 0 : i32
    %dma_wait3A_45 = arith.constant 0 : i32
    %dma_wait3A_46 = arith.constant 0 : i32
    %dma_wait3A_47 = tpu.memref_slice %arg2[%add3A, %dma_wait3A, %dma_wait3A_45, %dma_wait3A_46] : memref<32x125x2x80xi32, #tpu.memory_space<hbm>> -> memref<1x1x2x80xi32, #tpu.memory_space<hbm>>
    %dma_wait3A_48 = tpu.memref_squeeze %dma_wait3A_47 : memref<1x1x2x80xi32, #tpu.memory_space<hbm>> -> memref<2x80xi32, #tpu.memory_space<hbm>>
    %dma_wait3A_49 = arith.constant 0 : i32
    %dma_wait3A_50 = arith.constant 0 : i32
    %dma_wait3A_51 = tpu.memref_slice %arg2[%add3A, %dma_wait3A, %dma_wait3A_49, %dma_wait3A_50] : memref<32x125x2x80xi32, #tpu.memory_space<hbm>> -> memref<1x1x2x80xi32, #tpu.memory_space<hbm>>
    %dma_wait3A_52 = tpu.memref_squeeze %dma_wait3A_51 : memref<1x1x2x80xi32, #tpu.memory_space<hbm>> -> memref<2x80xi32, #tpu.memory_space<hbm>>
    tpu.wait_dma2 semaphore(%arg19 : memref<!tpu.dma_semaphore, #tpu.memory_space<semaphore_mem>>) src(%dma_wait3A_52 : memref<2x80xi32, #tpu.memory_space<hbm>>) dst(%arg6 : memref<2x80xi32, #tpu.memory_space<vmem>>)
    %dma_start3A_53 = arith.constant 1 : i32
    %dma_start3A_54 = arith.constant 0 : i32
    %dma_start3A_55 = tpu.memref_slice %arg6[%dma_start3A_53, %dma_start3A_54] : memref<2x80xi32, #tpu.memory_space<vmem>> -> memref<1x80xi32, #tpu.memory_space<vmem>>
    %dma_start3A_56 = tpu.memref_squeeze %dma_start3A_55 : memref<1x80xi32, #tpu.memory_space<vmem>> -> memref<80xi32, #tpu.memory_space<vmem>>
    %dma_start3A_57 = arith.constant 0 : i32
    %dma_start3A_58 = arith.constant 0 : i32
    %dma_start3A_59 = tpu.memref_slice %arg3[%dma_start3A_57, %dma_start3A_58] : memref<10240x128xf32, #tpu.memory_space<hbm>> -> memref<10240x128xf32, #tpu.memory_space<hbm>>
    tpu.enqueue_indirect_dma source(%dma_start3A_59 : memref<10240x128xf32, #tpu.memory_space<hbm>>) target(%arg12 : memref<80x128xf32, #tpu.memory_space<vmem>>) offsets(%dma_start3A_56 : memref<80xi32, #tpu.memory_space<vmem>>) semaphore(%arg16 : memref<!tpu.dma_semaphore, #tpu.memory_space<semaphore_mem>>)
    %dma_wait3A_60 = arith.constant 1 : i32
    %dma_wait3A_61 = arith.constant 0 : i32
    %dma_wait3A_62 = arith.constant 0 : i32
    %dma_wait3A_63 = tpu.memref_slice %arg2[%add3A, %dma_wait3A_60, %dma_wait3A_61, %dma_wait3A_62] : memref<32x125x2x80xi32, #tpu.memory_space<hbm>> -> memref<1x1x2x80xi32, #tpu.memory_space<hbm>>
    %dma_wait3A_64 = tpu.memref_squeeze %dma_wait3A_63 : memref<1x1x2x80xi32, #tpu.memory_space<hbm>> -> memref<2x80xi32, #tpu.memory_space<hbm>>
    %dma_wait3A_65 = arith.constant 0 : i32
    %dma_wait3A_66 = arith.constant 0 : i32
    %dma_wait3A_67 = tpu.memref_slice %arg2[%add3A, %dma_wait3A_60, %dma_wait3A_65, %dma_wait3A_66] : memref<32x125x2x80xi32, #tpu.memory_space<hbm>> -> memref<1x1x2x80xi32, #tpu.memory_space<hbm>>
    %dma_wait3A_68 = tpu.memref_squeeze %dma_wait3A_67 : memref<1x1x2x80xi32, #tpu.memory_space<hbm>> -> memref<2x80xi32, #tpu.memory_space<hbm>>
    tpu.wait_dma2 semaphore(%arg20 : memref<!tpu.dma_semaphore, #tpu.memory_space<semaphore_mem>>) src(%dma_wait3A_68 : memref<2x80xi32, #tpu.memory_space<hbm>>) dst(%arg7 : memref<2x80xi32, #tpu.memory_space<vmem>>)
    %dma_start3A_69 = arith.constant 1 : i32
    %dma_start3A_70 = arith.constant 0 : i32
    %dma_start3A_71 = tpu.memref_slice %arg7[%dma_start3A_69, %dma_start3A_70] : memref<2x80xi32, #tpu.memory_space<vmem>> -> memref<1x80xi32, #tpu.memory_space<vmem>>
    %dma_start3A_72 = tpu.memref_squeeze %dma_start3A_71 : memref<1x80xi32, #tpu.memory_space<vmem>> -> memref<80xi32, #tpu.memory_space<vmem>>
    %dma_start3A_73 = arith.constant 0 : i32
    %dma_start3A_74 = arith.constant 0 : i32
    %dma_start3A_75 = tpu.memref_slice %arg3[%dma_start3A_73, %dma_start3A_74] : memref<10240x128xf32, #tpu.memory_space<hbm>> -> memref<10240x128xf32, #tpu.memory_space<hbm>>
    tpu.enqueue_indirect_dma source(%dma_start3A_75 : memref<10240x128xf32, #tpu.memory_space<hbm>>) target(%arg13 : memref<80x128xf32, #tpu.memory_space<vmem>>) offsets(%dma_start3A_72 : memref<80xi32, #tpu.memory_space<vmem>>) semaphore(%arg17 : memref<!tpu.dma_semaphore, #tpu.memory_space<semaphore_mem>>)
    %scan3A = arith.constant 0 : i32
    %scan3A_76 = arith.constant 0 : i32
    %scan3A_77 = arith.constant 41 : i32
    %scan3A_78 = arith.addi %scan3A_76, %scan3A_77 : i32
    %scan3A_79 = arith.constant 1 : i32
    scf.for %scan3A_131 = %scan3A_76 to %scan3A_78 step %scan3A_79  : i32 {
      %mul3A_132 = arith.constant 3 : i32
      %mul3A_133 = arith.muli %mul3A_132, %scan3A_131 : i32
      %dma_wait3A_134 = arith.constant 1 : i32
      %dma_wait3A_135 = arith.constant 0 : i32
      %dma_wait3A_136 = tpu.memref_slice %arg6[%dma_wait3A_134, %dma_wait3A_135] : memref<2x80xi32, #tpu.memory_space<vmem>> -> memref<1x80xi32, #tpu.memory_space<vmem>>
      %dma_wait3A_137 = tpu.memref_squeeze %dma_wait3A_136 : memref<1x80xi32, #tpu.memory_space<vmem>> -> memref<80xi32, #tpu.memory_space<vmem>>
      %dma_wait3A_138 = arith.constant 0 : i32
      %dma_wait3A_139 = arith.constant 0 : i32
      %dma_wait3A_140 = tpu.memref_slice %arg3[%dma_wait3A_138, %dma_wait3A_139] : memref<10240x128xf32, #tpu.memory_space<hbm>> -> memref<10240x128xf32, #tpu.memory_space<hbm>>
      tpu.wait_indirect_dma semaphore(%arg16 : memref<!tpu.dma_semaphore, #tpu.memory_space<semaphore_mem>>) src(%dma_wait3A_140 : memref<10240x128xf32, #tpu.memory_space<hbm>>) dst(%arg12 : memref<80x128xf32, #tpu.memory_space<vmem>>)
      %dma_wait3A_141 = arith.constant 0 : i32
      %dma_wait3A_142 = arith.constant 0 : i32
      %dma_wait3A_143 = tpu.memref_slice %arg2[%add3A, %mul3A_133, %dma_wait3A_141, %dma_wait3A_142] : memref<32x125x2x80xi32, #tpu.memory_space<hbm>> -> memref<1x1x1x80xi32, #tpu.memory_space<hbm>>
      %dma_wait3A_144 = tpu.memref_squeeze %dma_wait3A_143 : memref<1x1x1x80xi32, #tpu.memory_space<hbm>> -> memref<80xi32, #tpu.memory_space<hbm>>
      %dma_wait3A_145 = arith.constant 0 : i32
      %dma_wait3A_146 = tpu.memref_slice %arg2[%add3A, %mul3A_133, %dma_wait3A_141, %dma_wait3A_145] : memref<32x125x2x80xi32, #tpu.memory_space<hbm>> -> memref<1x1x1x80xi32, #tpu.memory_space<hbm>>
      %dma_wait3A_147 = tpu.memref_squeeze %dma_wait3A_146 : memref<1x1x1x80xi32, #tpu.memory_space<hbm>> -> memref<80xi32, #tpu.memory_space<hbm>>
      tpu.wait_dma2 semaphore(%arg22 : memref<!tpu.dma_semaphore, #tpu.memory_space<semaphore_mem>>) src(%dma_wait3A_147 : memref<80xi32, #tpu.memory_space<hbm>>) dst(%arg9 : memref<80xi32, #tpu.memory_space<vmem>>)
      %dma_start3A_148 = arith.constant 0 : i32
      %dma_start3A_149 = arith.constant 0 : i32
      %dma_start3A_150 = tpu.memref_slice %arg15[%dma_start3A_148, %dma_start3A_149] : memref<10240x128xf32, #tpu.memory_space<vmem_shared>> -> memref<10240x128xf32, #tpu.memory_space<vmem_shared>>
      tpu.enqueue_indirect_dma source(%arg12 : memref<80x128xf32, #tpu.memory_space<vmem>>) target(%dma_start3A_150 : memref<10240x128xf32, #tpu.memory_space<vmem_shared>>) offsets(%arg9 : memref<80xi32, #tpu.memory_space<vmem>>) semaphore(%arg25 : memref<!tpu.dma_semaphore, #tpu.memory_space<semaphore_mem>>) {add = true}
      %gt3A = arith.constant 0 : i32
      %gt3A_151 = arith.cmpi sgt, %mul3A_133, %gt3A : i32
      %convert_element_type3A = arith.extui %gt3A_151 : i1 to i32
      %cond3A = arith.constant 0 : i32
      %cond3A_152 = arith.cmpi ne, %convert_element_type3A, %cond3A : i32
      scf.if %cond3A_152 {
        %dma_wait3A_242 = arith.constant 0 : i32
        %dma_wait3A_243 = arith.constant 0 : i32
        %dma_wait3A_244 = tpu.memref_slice %arg15[%dma_wait3A_242, %dma_wait3A_243] : memref<10240x128xf32, #tpu.memory_space<vmem_shared>> -> memref<10240x128xf32, #tpu.memory_space<vmem_shared>>
        tpu.wait_indirect_dma semaphore(%arg25 : memref<!tpu.dma_semaphore, #tpu.memory_space<semaphore_mem>>) src(%arg12 : memref<80x128xf32, #tpu.memory_space<vmem>>) dst(%dma_wait3A_244 : memref<10240x128xf32, #tpu.memory_space<vmem_shared>>)
      } else {
      }
      %add3A_153 = arith.constant 2 : i32
      %add3A_154 = arith.addi %mul3A_133, %add3A_153 : i32
      %lt3A = arith.constant 125 : i32
      %lt3A_155 = arith.cmpi slt, %add3A_154, %lt3A : i32
      %convert_element_type3A_156 = arith.extui %lt3A_155 : i1 to i32
      %cond3A_157 = arith.constant 0 : i32
      %cond3A_158 = arith.cmpi ne, %convert_element_type3A_156, %cond3A_157 : i32
      scf.if %cond3A_158 {
        %add3A_242 = arith.constant 2 : i32
        %add3A_243 = arith.addi %mul3A_133, %add3A_242 : i32
        %dma_start3A_244 = arith.constant 0 : i32
        %dma_start3A_245 = arith.constant 0 : i32
        %dma_start3A_246 = tpu.memref_slice %arg2[%add3A, %add3A_243, %dma_start3A_244, %dma_start3A_245] : memref<32x125x2x80xi32, #tpu.memory_space<hbm>> -> memref<1x1x1x80xi32, #tpu.memory_space<hbm>>
        %dma_start3A_247 = tpu.memref_squeeze %dma_start3A_246 : memref<1x1x1x80xi32, #tpu.memory_space<hbm>> -> memref<80xi32, #tpu.memory_space<hbm>>
        %dma_start3A_248 = arith.constant 0 : i32
        %dma_start3A_249 = tpu.memref_slice %arg2[%add3A, %add3A_243, %dma_start3A_244, %dma_start3A_248] : memref<32x125x2x80xi32, #tpu.memory_space<hbm>> -> memref<1x1x1x80xi32, #tpu.memory_space<hbm>>
        %dma_start3A_250 = tpu.memref_squeeze %dma_start3A_249 : memref<1x1x1x80xi32, #tpu.memory_space<hbm>> -> memref<80xi32, #tpu.memory_space<hbm>>
        tpu.enqueue_dma source(%dma_start3A_250 : memref<80xi32, #tpu.memory_space<hbm>>) target(%arg11 : memref<80xi32, #tpu.memory_space<vmem>>) target_semaphore(%arg24 : memref<!tpu.dma_semaphore, #tpu.memory_space<semaphore_mem>>)
        %add3A_251 = arith.constant 2 : i32
        %add3A_252 = arith.addi %mul3A_133, %add3A_251 : i32
        %dma_wait3A_253 = arith.constant 0 : i32
        %dma_wait3A_254 = arith.constant 0 : i32
        %dma_wait3A_255 = tpu.memref_slice %arg2[%add3A, %add3A_252, %dma_wait3A_253, %dma_wait3A_254] : memref<32x125x2x80xi32, #tpu.memory_space<hbm>> -> memref<1x1x2x80xi32, #tpu.memory_space<hbm>>
        %dma_wait3A_256 = tpu.memref_squeeze %dma_wait3A_255 : memref<1x1x2x80xi32, #tpu.memory_space<hbm>> -> memref<2x80xi32, #tpu.memory_space<hbm>>
        %dma_wait3A_257 = arith.constant 0 : i32
        %dma_wait3A_258 = arith.constant 0 : i32
        %dma_wait3A_259 = tpu.memref_slice %arg2[%add3A, %add3A_252, %dma_wait3A_257, %dma_wait3A_258] : memref<32x125x2x80xi32, #tpu.memory_space<hbm>> -> memref<1x1x2x80xi32, #tpu.memory_space<hbm>>
        %dma_wait3A_260 = tpu.memref_squeeze %dma_wait3A_259 : memref<1x1x2x80xi32, #tpu.memory_space<hbm>> -> memref<2x80xi32, #tpu.memory_space<hbm>>
        tpu.wait_dma2 semaphore(%arg21 : memref<!tpu.dma_semaphore, #tpu.memory_space<semaphore_mem>>) src(%dma_wait3A_260 : memref<2x80xi32, #tpu.memory_space<hbm>>) dst(%arg8 : memref<2x80xi32, #tpu.memory_space<vmem>>)
        %add3A_261 = arith.constant 2 : i32
        %add3A_262 = arith.addi %mul3A_133, %add3A_261 : i32
        %dma_start3A_263 = arith.constant 1 : i32
        %dma_start3A_264 = arith.constant 0 : i32
        %dma_start3A_265 = tpu.memref_slice %arg8[%dma_start3A_263, %dma_start3A_264] : memref<2x80xi32, #tpu.memory_space<vmem>> -> memref<1x80xi32, #tpu.memory_space<vmem>>
        %dma_start3A_266 = tpu.memref_squeeze %dma_start3A_265 : memref<1x80xi32, #tpu.memory_space<vmem>> -> memref<80xi32, #tpu.memory_space<vmem>>
        %dma_start3A_267 = arith.constant 0 : i32
        %dma_start3A_268 = arith.constant 0 : i32
        %dma_start3A_269 = tpu.memref_slice %arg3[%dma_start3A_267, %dma_start3A_268] : memref<10240x128xf32, #tpu.memory_space<hbm>> -> memref<10240x128xf32, #tpu.memory_space<hbm>>
        tpu.enqueue_indirect_dma source(%dma_start3A_269 : memref<10240x128xf32, #tpu.memory_space<hbm>>) target(%arg14 : memref<80x128xf32, #tpu.memory_space<vmem>>) offsets(%dma_start3A_266 : memref<80xi32, #tpu.memory_space<vmem>>) semaphore(%arg18 : memref<!tpu.dma_semaphore, #tpu.memory_space<semaphore_mem>>)
      } else {
      }
      %add3A_159 = arith.constant 3 : i32
      %add3A_160 = arith.addi %mul3A_133, %add3A_159 : i32
      %lt3A_161 = arith.constant 125 : i32
      %lt3A_162 = arith.cmpi slt, %add3A_160, %lt3A_161 : i32
      %convert_element_type3A_163 = arith.extui %lt3A_162 : i1 to i32
      %cond3A_164 = arith.constant 0 : i32
      %cond3A_165 = arith.cmpi ne, %convert_element_type3A_163, %cond3A_164 : i32
      scf.if %cond3A_165 {
        %add3A_242 = arith.constant 3 : i32
        %add3A_243 = arith.addi %mul3A_133, %add3A_242 : i32
        %dma_start3A_244 = arith.constant 0 : i32
        %dma_start3A_245 = arith.constant 0 : i32
        %dma_start3A_246 = tpu.memref_slice %arg2[%add3A, %add3A_243, %dma_start3A_244, %dma_start3A_245] : memref<32x125x2x80xi32, #tpu.memory_space<hbm>> -> memref<1x1x2x80xi32, #tpu.memory_space<hbm>>
        %dma_start3A_247 = tpu.memref_squeeze %dma_start3A_246 : memref<1x1x2x80xi32, #tpu.memory_space<hbm>> -> memref<2x80xi32, #tpu.memory_space<hbm>>
        %dma_start3A_248 = arith.constant 0 : i32
        %dma_start3A_249 = arith.constant 0 : i32
        %dma_start3A_250 = tpu.memref_slice %arg2[%add3A, %add3A_243, %dma_start3A_248, %dma_start3A_249] : memref<32x125x2x80xi32, #tpu.memory_space<hbm>> -> memref<1x1x2x80xi32, #tpu.memory_space<hbm>>
        %dma_start3A_251 = tpu.memref_squeeze %dma_start3A_250 : memref<1x1x2x80xi32, #tpu.memory_space<hbm>> -> memref<2x80xi32, #tpu.memory_space<hbm>>
        tpu.enqueue_dma source(%dma_start3A_251 : memref<2x80xi32, #tpu.memory_space<hbm>>) target(%arg6 : memref<2x80xi32, #tpu.memory_space<vmem>>) target_semaphore(%arg19 : memref<!tpu.dma_semaphore, #tpu.memory_space<semaphore_mem>>)
      } else {
      }
      %add3A_166 = arith.constant 1 : i32
      %add3A_167 = arith.addi %mul3A_133, %add3A_166 : i32
      %dma_wait3A_168 = arith.constant 1 : i32
      %dma_wait3A_169 = arith.constant 0 : i32
      %dma_wait3A_170 = tpu.memref_slice %arg7[%dma_wait3A_168, %dma_wait3A_169] : memref<2x80xi32, #tpu.memory_space<vmem>> -> memref<1x80xi32, #tpu.memory_space<vmem>>
      %dma_wait3A_171 = tpu.memref_squeeze %dma_wait3A_170 : memref<1x80xi32, #tpu.memory_space<vmem>> -> memref<80xi32, #tpu.memory_space<vmem>>
      %dma_wait3A_172 = arith.constant 0 : i32
      %dma_wait3A_173 = arith.constant 0 : i32
      %dma_wait3A_174 = tpu.memref_slice %arg3[%dma_wait3A_172, %dma_wait3A_173] : memref<10240x128xf32, #tpu.memory_space<hbm>> -> memref<10240x128xf32, #tpu.memory_space<hbm>>
      tpu.wait_indirect_dma semaphore(%arg17 : memref<!tpu.dma_semaphore, #tpu.memory_space<semaphore_mem>>) src(%dma_wait3A_174 : memref<10240x128xf32, #tpu.memory_space<hbm>>) dst(%arg13 : memref<80x128xf32, #tpu.memory_space<vmem>>)
      %dma_wait3A_175 = arith.constant 0 : i32
      %dma_wait3A_176 = arith.constant 0 : i32
      %dma_wait3A_177 = tpu.memref_slice %arg2[%add3A, %add3A_167, %dma_wait3A_175, %dma_wait3A_176] : memref<32x125x2x80xi32, #tpu.memory_space<hbm>> -> memref<1x1x1x80xi32, #tpu.memory_space<hbm>>
      %dma_wait3A_178 = tpu.memref_squeeze %dma_wait3A_177 : memref<1x1x1x80xi32, #tpu.memory_space<hbm>> -> memref<80xi32, #tpu.memory_space<hbm>>
      %dma_wait3A_179 = arith.constant 0 : i32
      %dma_wait3A_180 = tpu.memref_slice %arg2[%add3A, %add3A_167, %dma_wait3A_175, %dma_wait3A_179] : memref<32x125x2x80xi32, #tpu.memory_space<hbm>> -> memref<1x1x1x80xi32, #tpu.memory_space<hbm>>
      %dma_wait3A_181 = tpu.memref_squeeze %dma_wait3A_180 : memref<1x1x1x80xi32, #tpu.memory_space<hbm>> -> memref<80xi32, #tpu.memory_space<hbm>>
      tpu.wait_dma2 semaphore(%arg23 : memref<!tpu.dma_semaphore, #tpu.memory_space<semaphore_mem>>) src(%dma_wait3A_181 : memref<80xi32, #tpu.memory_space<hbm>>) dst(%arg10 : memref<80xi32, #tpu.memory_space<vmem>>)
      %dma_start3A_182 = arith.constant 0 : i32
      %dma_start3A_183 = arith.constant 0 : i32
      %dma_start3A_184 = tpu.memref_slice %arg15[%dma_start3A_182, %dma_start3A_183] : memref<10240x128xf32, #tpu.memory_space<vmem_shared>> -> memref<10240x128xf32, #tpu.memory_space<vmem_shared>>
      tpu.enqueue_indirect_dma source(%arg13 : memref<80x128xf32, #tpu.memory_space<vmem>>) target(%dma_start3A_184 : memref<10240x128xf32, #tpu.memory_space<vmem_shared>>) offsets(%arg10 : memref<80xi32, #tpu.memory_space<vmem>>) semaphore(%arg25 : memref<!tpu.dma_semaphore, #tpu.memory_space<semaphore_mem>>) {add = true}
      %gt3A_185 = arith.constant 0 : i32
      %gt3A_186 = arith.cmpi sgt, %add3A_167, %gt3A_185 : i32
      %convert_element_type3A_187 = arith.extui %gt3A_186 : i1 to i32
      %cond3A_188 = arith.constant 0 : i32
      %cond3A_189 = arith.cmpi ne, %convert_element_type3A_187, %cond3A_188 : i32
      scf.if %cond3A_189 {
        %dma_wait3A_242 = arith.constant 0 : i32
        %dma_wait3A_243 = arith.constant 0 : i32
        %dma_wait3A_244 = tpu.memref_slice %arg15[%dma_wait3A_242, %dma_wait3A_243] : memref<10240x128xf32, #tpu.memory_space<vmem_shared>> -> memref<10240x128xf32, #tpu.memory_space<vmem_shared>>
        tpu.wait_indirect_dma semaphore(%arg25 : memref<!tpu.dma_semaphore, #tpu.memory_space<semaphore_mem>>) src(%arg13 : memref<80x128xf32, #tpu.memory_space<vmem>>) dst(%dma_wait3A_244 : memref<10240x128xf32, #tpu.memory_space<vmem_shared>>)
      } else {
      }
      %add3A_190 = arith.constant 2 : i32
      %add3A_191 = arith.addi %add3A_167, %add3A_190 : i32
      %lt3A_192 = arith.constant 125 : i32
      %lt3A_193 = arith.cmpi slt, %add3A_191, %lt3A_192 : i32
      %convert_element_type3A_194 = arith.extui %lt3A_193 : i1 to i32
      %cond3A_195 = arith.constant 0 : i32
      %cond3A_196 = arith.cmpi ne, %convert_element_type3A_194, %cond3A_195 : i32
      scf.if %cond3A_196 {
        %add3A_242 = arith.constant 2 : i32
        %add3A_243 = arith.addi %add3A_167, %add3A_242 : i32
        %dma_start3A_244 = arith.constant 0 : i32
        %dma_start3A_245 = arith.constant 0 : i32
        %dma_start3A_246 = tpu.memref_slice %arg2[%add3A, %add3A_243, %dma_start3A_244, %dma_start3A_245] : memref<32x125x2x80xi32, #tpu.memory_space<hbm>> -> memref<1x1x1x80xi32, #tpu.memory_space<hbm>>
        %dma_start3A_247 = tpu.memref_squeeze %dma_start3A_246 : memref<1x1x1x80xi32, #tpu.memory_space<hbm>> -> memref<80xi32, #tpu.memory_space<hbm>>
        %dma_start3A_248 = arith.constant 0 : i32
        %dma_start3A_249 = tpu.memref_slice %arg2[%add3A, %add3A_243, %dma_start3A_244, %dma_start3A_248] : memref<32x125x2x80xi32, #tpu.memory_space<hbm>> -> memref<1x1x1x80xi32, #tpu.memory_space<hbm>>
        %dma_start3A_250 = tpu.memref_squeeze %dma_start3A_249 : memref<1x1x1x80xi32, #tpu.memory_space<hbm>> -> memref<80xi32, #tpu.memory_space<hbm>>
        tpu.enqueue_dma source(%dma_start3A_250 : memref<80xi32, #tpu.memory_space<hbm>>) target(%arg9 : memref<80xi32, #tpu.memory_space<vmem>>) target_semaphore(%arg22 : memref<!tpu.dma_semaphore, #tpu.memory_space<semaphore_mem>>)
        %add3A_251 = arith.constant 2 : i32
        %add3A_252 = arith.addi %add3A_167, %add3A_251 : i32
        %dma_wait3A_253 = arith.constant 0 : i32
        %dma_wait3A_254 = arith.constant 0 : i32
        %dma_wait3A_255 = tpu.memref_slice %arg2[%add3A, %add3A_252, %dma_wait3A_253, %dma_wait3A_254] : memref<32x125x2x80xi32, #tpu.memory_space<hbm>> -> memref<1x1x2x80xi32, #tpu.memory_space<hbm>>
        %dma_wait3A_256 = tpu.memref_squeeze %dma_wait3A_255 : memref<1x1x2x80xi32, #tpu.memory_space<hbm>> -> memref<2x80xi32, #tpu.memory_space<hbm>>
        %dma_wait3A_257 = arith.constant 0 : i32
        %dma_wait3A_258 = arith.constant 0 : i32
        %dma_wait3A_259 = tpu.memref_slice %arg2[%add3A, %add3A_252, %dma_wait3A_257, %dma_wait3A_258] : memref<32x125x2x80xi32, #tpu.memory_space<hbm>> -> memref<1x1x2x80xi32, #tpu.memory_space<hbm>>
        %dma_wait3A_260 = tpu.memref_squeeze %dma_wait3A_259 : memref<1x1x2x80xi32, #tpu.memory_space<hbm>> -> memref<2x80xi32, #tpu.memory_space<hbm>>
        tpu.wait_dma2 semaphore(%arg19 : memref<!tpu.dma_semaphore, #tpu.memory_space<semaphore_mem>>) src(%dma_wait3A_260 : memref<2x80xi32, #tpu.memory_space<hbm>>) dst(%arg6 : memref<2x80xi32, #tpu.memory_space<vmem>>)
        %add3A_261 = arith.constant 2 : i32
        %add3A_262 = arith.addi %add3A_167, %add3A_261 : i32
        %dma_start3A_263 = arith.constant 1 : i32
        %dma_start3A_264 = arith.constant 0 : i32
        %dma_start3A_265 = tpu.memref_slice %arg6[%dma_start3A_263, %dma_start3A_264] : memref<2x80xi32, #tpu.memory_space<vmem>> -> memref<1x80xi32, #tpu.memory_space<vmem>>
        %dma_start3A_266 = tpu.memref_squeeze %dma_start3A_265 : memref<1x80xi32, #tpu.memory_space<vmem>> -> memref<80xi32, #tpu.memory_space<vmem>>
        %dma_start3A_267 = arith.constant 0 : i32
        %dma_start3A_268 = arith.constant 0 : i32
        %dma_start3A_269 = tpu.memref_slice %arg3[%dma_start3A_267, %dma_start3A_268] : memref<10240x128xf32, #tpu.memory_space<hbm>> -> memref<10240x128xf32, #tpu.memory_space<hbm>>
        tpu.enqueue_indirect_dma source(%dma_start3A_269 : memref<10240x128xf32, #tpu.memory_space<hbm>>) target(%arg12 : memref<80x128xf32, #tpu.memory_space<vmem>>) offsets(%dma_start3A_266 : memref<80xi32, #tpu.memory_space<vmem>>) semaphore(%arg16 : memref<!tpu.dma_semaphore, #tpu.memory_space<semaphore_mem>>)
      } else {
      }
      %add3A_197 = arith.constant 3 : i32
      %add3A_198 = arith.addi %add3A_167, %add3A_197 : i32
      %lt3A_199 = arith.constant 125 : i32
      %lt3A_200 = arith.cmpi slt, %add3A_198, %lt3A_199 : i32
      %convert_element_type3A_201 = arith.extui %lt3A_200 : i1 to i32
      %cond3A_202 = arith.constant 0 : i32
      %cond3A_203 = arith.cmpi ne, %convert_element_type3A_201, %cond3A_202 : i32
      scf.if %cond3A_203 {
        %add3A_242 = arith.constant 3 : i32
        %add3A_243 = arith.addi %add3A_167, %add3A_242 : i32
        %dma_start3A_244 = arith.constant 0 : i32
        %dma_start3A_245 = arith.constant 0 : i32
        %dma_start3A_246 = tpu.memref_slice %arg2[%add3A, %add3A_243, %dma_start3A_244, %dma_start3A_245] : memref<32x125x2x80xi32, #tpu.memory_space<hbm>> -> memref<1x1x2x80xi32, #tpu.memory_space<hbm>>
        %dma_start3A_247 = tpu.memref_squeeze %dma_start3A_246 : memref<1x1x2x80xi32, #tpu.memory_space<hbm>> -> memref<2x80xi32, #tpu.memory_space<hbm>>
        %dma_start3A_248 = arith.constant 0 : i32
        %dma_start3A_249 = arith.constant 0 : i32
        %dma_start3A_250 = tpu.memref_slice %arg2[%add3A, %add3A_243, %dma_start3A_248, %dma_start3A_249] : memref<32x125x2x80xi32, #tpu.memory_space<hbm>> -> memref<1x1x2x80xi32, #tpu.memory_space<hbm>>
        %dma_start3A_251 = tpu.memref_squeeze %dma_start3A_250 : memref<1x1x2x80xi32, #tpu.memory_space<hbm>> -> memref<2x80xi32, #tpu.memory_space<hbm>>
        tpu.enqueue_dma source(%dma_start3A_251 : memref<2x80xi32, #tpu.memory_space<hbm>>) target(%arg7 : memref<2x80xi32, #tpu.memory_space<vmem>>) target_semaphore(%arg20 : memref<!tpu.dma_semaphore, #tpu.memory_space<semaphore_mem>>)
      } else {
      }
      %add3A_204 = arith.constant 2 : i32
      %add3A_205 = arith.addi %mul3A_133, %add3A_204 : i32
      %dma_wait3A_206 = arith.constant 1 : i32
      %dma_wait3A_207 = arith.constant 0 : i32
      %dma_wait3A_208 = tpu.memref_slice %arg8[%dma_wait3A_206, %dma_wait3A_207] : memref<2x80xi32, #tpu.memory_space<vmem>> -> memref<1x80xi32, #tpu.memory_space<vmem>>
      %dma_wait3A_209 = tpu.memref_squeeze %dma_wait3A_208 : memref<1x80xi32, #tpu.memory_space<vmem>> -> memref<80xi32, #tpu.memory_space<vmem>>
      %dma_wait3A_210 = arith.constant 0 : i32
      %dma_wait3A_211 = arith.constant 0 : i32
      %dma_wait3A_212 = tpu.memref_slice %arg3[%dma_wait3A_210, %dma_wait3A_211] : memref<10240x128xf32, #tpu.memory_space<hbm>> -> memref<10240x128xf32, #tpu.memory_space<hbm>>
      tpu.wait_indirect_dma semaphore(%arg18 : memref<!tpu.dma_semaphore, #tpu.memory_space<semaphore_mem>>) src(%dma_wait3A_212 : memref<10240x128xf32, #tpu.memory_space<hbm>>) dst(%arg14 : memref<80x128xf32, #tpu.memory_space<vmem>>)
      %dma_wait3A_213 = arith.constant 0 : i32
      %dma_wait3A_214 = arith.constant 0 : i32
      %dma_wait3A_215 = tpu.memref_slice %arg2[%add3A, %add3A_205, %dma_wait3A_213, %dma_wait3A_214] : memref<32x125x2x80xi32, #tpu.memory_space<hbm>> -> memref<1x1x1x80xi32, #tpu.memory_space<hbm>>
      %dma_wait3A_216 = tpu.memref_squeeze %dma_wait3A_215 : memref<1x1x1x80xi32, #tpu.memory_space<hbm>> -> memref<80xi32, #tpu.memory_space<hbm>>
      %dma_wait3A_217 = arith.constant 0 : i32
      %dma_wait3A_218 = tpu.memref_slice %arg2[%add3A, %add3A_205, %dma_wait3A_213, %dma_wait3A_217] : memref<32x125x2x80xi32, #tpu.memory_space<hbm>> -> memref<1x1x1x80xi32, #tpu.memory_space<hbm>>
      %dma_wait3A_219 = tpu.memref_squeeze %dma_wait3A_218 : memref<1x1x1x80xi32, #tpu.memory_space<hbm>> -> memref<80xi32, #tpu.memory_space<hbm>>
      tpu.wait_dma2 semaphore(%arg24 : memref<!tpu.dma_semaphore, #tpu.memory_space<semaphore_mem>>) src(%dma_wait3A_219 : memref<80xi32, #tpu.memory_space<hbm>>) dst(%arg11 : memref<80xi32, #tpu.memory_space<vmem>>)
      %dma_start3A_220 = arith.constant 0 : i32
      %dma_start3A_221 = arith.constant 0 : i32
      %dma_start3A_222 = tpu.memref_slice %arg15[%dma_start3A_220, %dma_start3A_221] : memref<10240x128xf32, #tpu.memory_space<vmem_shared>> -> memref<10240x128xf32, #tpu.memory_space<vmem_shared>>
      tpu.enqueue_indirect_dma source(%arg14 : memref<80x128xf32, #tpu.memory_space<vmem>>) target(%dma_start3A_222 : memref<10240x128xf32, #tpu.memory_space<vmem_shared>>) offsets(%arg11 : memref<80xi32, #tpu.memory_space<vmem>>) semaphore(%arg25 : memref<!tpu.dma_semaphore, #tpu.memory_space<semaphore_mem>>) {add = true}
      %gt3A_223 = arith.constant 0 : i32
      %gt3A_224 = arith.cmpi sgt, %add3A_205, %gt3A_223 : i32
      %convert_element_type3A_225 = arith.extui %gt3A_224 : i1 to i32
      %cond3A_226 = arith.constant 0 : i32
      %cond3A_227 = arith.cmpi ne, %convert_element_type3A_225, %cond3A_226 : i32
      scf.if %cond3A_227 {
        %dma_wait3A_242 = arith.constant 0 : i32
        %dma_wait3A_243 = arith.constant 0 : i32
        %dma_wait3A_244 = tpu.memref_slice %arg15[%dma_wait3A_242, %dma_wait3A_243] : memref<10240x128xf32, #tpu.memory_space<vmem_shared>> -> memref<10240x128xf32, #tpu.memory_space<vmem_shared>>
        tpu.wait_indirect_dma semaphore(%arg25 : memref<!tpu.dma_semaphore, #tpu.memory_space<semaphore_mem>>) src(%arg14 : memref<80x128xf32, #tpu.memory_space<vmem>>) dst(%dma_wait3A_244 : memref<10240x128xf32, #tpu.memory_space<vmem_shared>>)
      } else {
      }
      %add3A_228 = arith.constant 2 : i32
      %add3A_229 = arith.addi %add3A_205, %add3A_228 : i32
      %lt3A_230 = arith.constant 125 : i32
      %lt3A_231 = arith.cmpi slt, %add3A_229, %lt3A_230 : i32
      %convert_element_type3A_232 = arith.extui %lt3A_231 : i1 to i32
      %cond3A_233 = arith.constant 0 : i32
      %cond3A_234 = arith.cmpi ne, %convert_element_type3A_232, %cond3A_233 : i32
      scf.if %cond3A_234 {
        %add3A_242 = arith.constant 2 : i32
        %add3A_243 = arith.addi %add3A_205, %add3A_242 : i32
        %dma_start3A_244 = arith.constant 0 : i32
        %dma_start3A_245 = arith.constant 0 : i32
        %dma_start3A_246 = tpu.memref_slice %arg2[%add3A, %add3A_243, %dma_start3A_244, %dma_start3A_245] : memref<32x125x2x80xi32, #tpu.memory_space<hbm>> -> memref<1x1x1x80xi32, #tpu.memory_space<hbm>>
        %dma_start3A_247 = tpu.memref_squeeze %dma_start3A_246 : memref<1x1x1x80xi32, #tpu.memory_space<hbm>> -> memref<80xi32, #tpu.memory_space<hbm>>
        %dma_start3A_248 = arith.constant 0 : i32
        %dma_start3A_249 = tpu.memref_slice %arg2[%add3A, %add3A_243, %dma_start3A_244, %dma_start3A_248] : memref<32x125x2x80xi32, #tpu.memory_space<hbm>> -> memref<1x1x1x80xi32, #tpu.memory_space<hbm>>
        %dma_start3A_250 = tpu.memref_squeeze %dma_start3A_249 : memref<1x1x1x80xi32, #tpu.memory_space<hbm>> -> memref<80xi32, #tpu.memory_space<hbm>>
        tpu.enqueue_dma source(%dma_start3A_250 : memref<80xi32, #tpu.memory_space<hbm>>) target(%arg10 : memref<80xi32, #tpu.memory_space<vmem>>) target_semaphore(%arg23 : memref<!tpu.dma_semaphore, #tpu.memory_space<semaphore_mem>>)
        %add3A_251 = arith.constant 2 : i32
        %add3A_252 = arith.addi %add3A_205, %add3A_251 : i32
        %dma_wait3A_253 = arith.constant 0 : i32
        %dma_wait3A_254 = arith.constant 0 : i32
        %dma_wait3A_255 = tpu.memref_slice %arg2[%add3A, %add3A_252, %dma_wait3A_253, %dma_wait3A_254] : memref<32x125x2x80xi32, #tpu.memory_space<hbm>> -> memref<1x1x2x80xi32, #tpu.memory_space<hbm>>
        %dma_wait3A_256 = tpu.memref_squeeze %dma_wait3A_255 : memref<1x1x2x80xi32, #tpu.memory_space<hbm>> -> memref<2x80xi32, #tpu.memory_space<hbm>>
        %dma_wait3A_257 = arith.constant 0 : i32
        %dma_wait3A_258 = arith.constant 0 : i32
        %dma_wait3A_259 = tpu.memref_slice %arg2[%add3A, %add3A_252, %dma_wait3A_257, %dma_wait3A_258] : memref<32x125x2x80xi32, #tpu.memory_space<hbm>> -> memref<1x1x2x80xi32, #tpu.memory_space<hbm>>
        %dma_wait3A_260 = tpu.memref_squeeze %dma_wait3A_259 : memref<1x1x2x80xi32, #tpu.memory_space<hbm>> -> memref<2x80xi32, #tpu.memory_space<hbm>>
        tpu.wait_dma2 semaphore(%arg20 : memref<!tpu.dma_semaphore, #tpu.memory_space<semaphore_mem>>) src(%dma_wait3A_260 : memref<2x80xi32, #tpu.memory_space<hbm>>) dst(%arg7 : memref<2x80xi32, #tpu.memory_space<vmem>>)
        %add3A_261 = arith.constant 2 : i32
        %add3A_262 = arith.addi %add3A_205, %add3A_261 : i32
        %dma_start3A_263 = arith.constant 1 : i32
        %dma_start3A_264 = arith.constant 0 : i32
        %dma_start3A_265 = tpu.memref_slice %arg7[%dma_start3A_263, %dma_start3A_264] : memref<2x80xi32, #tpu.memory_space<vmem>> -> memref<1x80xi32, #tpu.memory_space<vmem>>
        %dma_start3A_266 = tpu.memref_squeeze %dma_start3A_265 : memref<1x80xi32, #tpu.memory_space<vmem>> -> memref<80xi32, #tpu.memory_space<vmem>>
        %dma_start3A_267 = arith.constant 0 : i32
        %dma_start3A_268 = arith.constant 0 : i32
        %dma_start3A_269 = tpu.memref_slice %arg3[%dma_start3A_267, %dma_start3A_268] : memref<10240x128xf32, #tpu.memory_space<hbm>> -> memref<10240x128xf32, #tpu.memory_space<hbm>>
        tpu.enqueue_indirect_dma source(%dma_start3A_269 : memref<10240x128xf32, #tpu.memory_space<hbm>>) target(%arg13 : memref<80x128xf32, #tpu.memory_space<vmem>>) offsets(%dma_start3A_266 : memref<80xi32, #tpu.memory_space<vmem>>) semaphore(%arg17 : memref<!tpu.dma_semaphore, #tpu.memory_space<semaphore_mem>>)
      } else {
      }
      %add3A_235 = arith.constant 3 : i32
      %add3A_236 = arith.addi %add3A_205, %add3A_235 : i32
      %lt3A_237 = arith.constant 125 : i32
      %lt3A_238 = arith.cmpi slt, %add3A_236, %lt3A_237 : i32
      %convert_element_type3A_239 = arith.extui %lt3A_238 : i1 to i32
      %cond3A_240 = arith.constant 0 : i32
      %cond3A_241 = arith.cmpi ne, %convert_element_type3A_239, %cond3A_240 : i32
      scf.if %cond3A_241 {
        %add3A_242 = arith.constant 3 : i32
        %add3A_243 = arith.addi %add3A_205, %add3A_242 : i32
        %dma_start3A_244 = arith.constant 0 : i32
        %dma_start3A_245 = arith.constant 0 : i32
        %dma_start3A_246 = tpu.memref_slice %arg2[%add3A, %add3A_243, %dma_start3A_244, %dma_start3A_245] : memref<32x125x2x80xi32, #tpu.memory_space<hbm>> -> memref<1x1x2x80xi32, #tpu.memory_space<hbm>>
        %dma_start3A_247 = tpu.memref_squeeze %dma_start3A_246 : memref<1x1x2x80xi32, #tpu.memory_space<hbm>> -> memref<2x80xi32, #tpu.memory_space<hbm>>
        %dma_start3A_248 = arith.constant 0 : i32
        %dma_start3A_249 = arith.constant 0 : i32
        %dma_start3A_250 = tpu.memref_slice %arg2[%add3A, %add3A_243, %dma_start3A_248, %dma_start3A_249] : memref<32x125x2x80xi32, #tpu.memory_space<hbm>> -> memref<1x1x2x80xi32, #tpu.memory_space<hbm>>
        %dma_start3A_251 = tpu.memref_squeeze %dma_start3A_250 : memref<1x1x2x80xi32, #tpu.memory_space<hbm>> -> memref<2x80xi32, #tpu.memory_space<hbm>>
        tpu.enqueue_dma source(%dma_start3A_251 : memref<2x80xi32, #tpu.memory_space<hbm>>) target(%arg8 : memref<2x80xi32, #tpu.memory_space<vmem>>) target_semaphore(%arg21 : memref<!tpu.dma_semaphore, #tpu.memory_space<semaphore_mem>>)
      } else {
      }
    }
    %scan3A_80 = arith.constant 41 : i32
    %dma_wait3A_81 = arith.constant 1 : i32
    %dma_wait3A_82 = arith.constant 0 : i32
    %dma_wait3A_83 = tpu.memref_slice %arg6[%dma_wait3A_81, %dma_wait3A_82] : memref<2x80xi32, #tpu.memory_space<vmem>> -> memref<1x80xi32, #tpu.memory_space<vmem>>
    %dma_wait3A_84 = tpu.memref_squeeze %dma_wait3A_83 : memref<1x80xi32, #tpu.memory_space<vmem>> -> memref<80xi32, #tpu.memory_space<vmem>>
    %dma_wait3A_85 = arith.constant 0 : i32
    %dma_wait3A_86 = arith.constant 0 : i32
    %dma_wait3A_87 = tpu.memref_slice %arg3[%dma_wait3A_85, %dma_wait3A_86] : memref<10240x128xf32, #tpu.memory_space<hbm>> -> memref<10240x128xf32, #tpu.memory_space<hbm>>
    tpu.wait_indirect_dma semaphore(%arg16 : memref<!tpu.dma_semaphore, #tpu.memory_space<semaphore_mem>>) src(%dma_wait3A_87 : memref<10240x128xf32, #tpu.memory_space<hbm>>) dst(%arg12 : memref<80x128xf32, #tpu.memory_space<vmem>>)
    %dma_wait3A_88 = arith.constant 123 : i32
    %dma_wait3A_89 = arith.constant 0 : i32
    %dma_wait3A_90 = arith.constant 0 : i32
    %dma_wait3A_91 = tpu.memref_slice %arg2[%add3A, %dma_wait3A_88, %dma_wait3A_89, %dma_wait3A_90] : memref<32x125x2x80xi32, #tpu.memory_space<hbm>> -> memref<1x1x1x80xi32, #tpu.memory_space<hbm>>
    %dma_wait3A_92 = tpu.memref_squeeze %dma_wait3A_91 : memref<1x1x1x80xi32, #tpu.memory_space<hbm>> -> memref<80xi32, #tpu.memory_space<hbm>>
    %dma_wait3A_93 = arith.constant 0 : i32
    %dma_wait3A_94 = tpu.memref_slice %arg2[%add3A, %dma_wait3A_88, %dma_wait3A_89, %dma_wait3A_93] : memref<32x125x2x80xi32, #tpu.memory_space<hbm>> -> memref<1x1x1x80xi32, #tpu.memory_space<hbm>>
    %dma_wait3A_95 = tpu.memref_squeeze %dma_wait3A_94 : memref<1x1x1x80xi32, #tpu.memory_space<hbm>> -> memref<80xi32, #tpu.memory_space<hbm>>
    tpu.wait_dma2 semaphore(%arg22 : memref<!tpu.dma_semaphore, #tpu.memory_space<semaphore_mem>>) src(%dma_wait3A_95 : memref<80xi32, #tpu.memory_space<hbm>>) dst(%arg9 : memref<80xi32, #tpu.memory_space<vmem>>)
    %dma_start3A_96 = arith.constant 0 : i32
    %dma_start3A_97 = arith.constant 0 : i32
    %dma_start3A_98 = tpu.memref_slice %arg15[%dma_start3A_96, %dma_start3A_97] : memref<10240x128xf32, #tpu.memory_space<vmem_shared>> -> memref<10240x128xf32, #tpu.memory_space<vmem_shared>>
    tpu.enqueue_indirect_dma source(%arg12 : memref<80x128xf32, #tpu.memory_space<vmem>>) target(%dma_start3A_98 : memref<10240x128xf32, #tpu.memory_space<vmem_shared>>) offsets(%arg9 : memref<80xi32, #tpu.memory_space<vmem>>) semaphore(%arg25 : memref<!tpu.dma_semaphore, #tpu.memory_space<semaphore_mem>>) {add = true}
    %dma_wait3A_99 = arith.constant 0 : i32
    %dma_wait3A_100 = arith.constant 0 : i32
    %dma_wait3A_101 = tpu.memref_slice %arg15[%dma_wait3A_99, %dma_wait3A_100] : memref<10240x128xf32, #tpu.memory_space<vmem_shared>> -> memref<10240x128xf32, #tpu.memory_space<vmem_shared>>
    tpu.wait_indirect_dma semaphore(%arg25 : memref<!tpu.dma_semaphore, #tpu.memory_space<semaphore_mem>>) src(%arg12 : memref<80x128xf32, #tpu.memory_space<vmem>>) dst(%dma_wait3A_101 : memref<10240x128xf32, #tpu.memory_space<vmem_shared>>)
    %dma_wait3A_102 = arith.constant 1 : i32
    %dma_wait3A_103 = arith.constant 0 : i32
    %dma_wait3A_104 = tpu.memref_slice %arg7[%dma_wait3A_102, %dma_wait3A_103] : memref<2x80xi32, #tpu.memory_space<vmem>> -> memref<1x80xi32, #tpu.memory_space<vmem>>
    %dma_wait3A_105 = tpu.memref_squeeze %dma_wait3A_104 : memref<1x80xi32, #tpu.memory_space<vmem>> -> memref<80xi32, #tpu.memory_space<vmem>>
    %dma_wait3A_106 = arith.constant 0 : i32
    %dma_wait3A_107 = arith.constant 0 : i32
    %dma_wait3A_108 = tpu.memref_slice %arg3[%dma_wait3A_106, %dma_wait3A_107] : memref<10240x128xf32, #tpu.memory_space<hbm>> -> memref<10240x128xf32, #tpu.memory_space<hbm>>
    tpu.wait_indirect_dma semaphore(%arg17 : memref<!tpu.dma_semaphore, #tpu.memory_space<semaphore_mem>>) src(%dma_wait3A_108 : memref<10240x128xf32, #tpu.memory_space<hbm>>) dst(%arg13 : memref<80x128xf32, #tpu.memory_space<vmem>>)
    %dma_wait3A_109 = arith.constant 124 : i32
    %dma_wait3A_110 = arith.constant 0 : i32
    %dma_wait3A_111 = arith.constant 0 : i32
    %dma_wait3A_112 = tpu.memref_slice %arg2[%add3A, %dma_wait3A_109, %dma_wait3A_110, %dma_wait3A_111] : memref<32x125x2x80xi32, #tpu.memory_space<hbm>> -> memref<1x1x1x80xi32, #tpu.memory_space<hbm>>
    %dma_wait3A_113 = tpu.memref_squeeze %dma_wait3A_112 : memref<1x1x1x80xi32, #tpu.memory_space<hbm>> -> memref<80xi32, #tpu.memory_space<hbm>>
    %dma_wait3A_114 = arith.constant 0 : i32
    %dma_wait3A_115 = tpu.memref_slice %arg2[%add3A, %dma_wait3A_109, %dma_wait3A_110, %dma_wait3A_114] : memref<32x125x2x80xi32, #tpu.memory_space<hbm>> -> memref<1x1x1x80xi32, #tpu.memory_space<hbm>>
    %dma_wait3A_116 = tpu.memref_squeeze %dma_wait3A_115 : memref<1x1x1x80xi32, #tpu.memory_space<hbm>> -> memref<80xi32, #tpu.memory_space<hbm>>
    tpu.wait_dma2 semaphore(%arg23 : memref<!tpu.dma_semaphore, #tpu.memory_space<semaphore_mem>>) src(%dma_wait3A_116 : memref<80xi32, #tpu.memory_space<hbm>>) dst(%arg10 : memref<80xi32, #tpu.memory_space<vmem>>)
    %dma_start3A_117 = arith.constant 0 : i32
    %dma_start3A_118 = arith.constant 0 : i32
    %dma_start3A_119 = tpu.memref_slice %arg15[%dma_start3A_117, %dma_start3A_118] : memref<10240x128xf32, #tpu.memory_space<vmem_shared>> -> memref<10240x128xf32, #tpu.memory_space<vmem_shared>>
    tpu.enqueue_indirect_dma source(%arg13 : memref<80x128xf32, #tpu.memory_space<vmem>>) target(%dma_start3A_119 : memref<10240x128xf32, #tpu.memory_space<vmem_shared>>) offsets(%arg10 : memref<80xi32, #tpu.memory_space<vmem>>) semaphore(%arg25 : memref<!tpu.dma_semaphore, #tpu.memory_space<semaphore_mem>>) {add = true}
    %dma_wait3A_120 = arith.constant 0 : i32
    %dma_wait3A_121 = arith.constant 0 : i32
    %dma_wait3A_122 = tpu.memref_slice %arg15[%dma_wait3A_120, %dma_wait3A_121] : memref<10240x128xf32, #tpu.memory_space<vmem_shared>> -> memref<10240x128xf32, #tpu.memory_space<vmem_shared>>
    tpu.wait_indirect_dma semaphore(%arg25 : memref<!tpu.dma_semaphore, #tpu.memory_space<semaphore_mem>>) src(%arg13 : memref<80x128xf32, #tpu.memory_space<vmem>>) dst(%dma_wait3A_122 : memref<10240x128xf32, #tpu.memory_space<vmem_shared>>)
    %dma_wait3A_123 = arith.constant 0 : i32
    %dma_wait3A_124 = arith.constant 0 : i32
    %dma_wait3A_125 = tpu.memref_slice %arg15[%dma_wait3A_123, %dma_wait3A_124] : memref<10240x128xf32, #tpu.memory_space<vmem_shared>> -> memref<10240x128xf32, #tpu.memory_space<vmem_shared>>
    tpu.wait_indirect_dma semaphore(%arg25 : memref<!tpu.dma_semaphore, #tpu.memory_space<semaphore_mem>>) src(%arg13 : memref<80x128xf32, #tpu.memory_space<vmem>>) dst(%dma_wait3A_125 : memref<10240x128xf32, #tpu.memory_space<vmem_shared>>)
    %barrier3A_126 = arith.constant 0 : index
    tpu.barrier barrier_id(%barrier3A_126)
    %mul3A_127 = arith.constant 640 : i32
    %mul3A_128 = arith.muli %arg1, %mul3A_127 : i32
    %mul3A_129 = arith.constant 640 : i32
    %mul3A_130 = arith.muli %arg1, %mul3A_129 : i32
    "tpu.region"() ({
      %run_scoped3A = tpu.sem_alloc : memref<!tpu.dma_semaphore, #tpu.memory_space<semaphore_mem>>
      %dma_start3A_131 = arith.constant 0 : i32
      %dma_start3A_132 = tpu.memref_slice %arg5[%arg0, %mul3A_130, %dma_start3A_131] : memref<2x10240x128xf32, #tpu.memory_space<hbm>> -> memref<1x640x128xf32, #tpu.memory_space<hbm>>
      %dma_start3A_133 = tpu.memref_squeeze %dma_start3A_132 : memref<1x640x128xf32, #tpu.memory_space<hbm>> -> memref<640x128xf32, #tpu.memory_space<hbm>>
      %dma_start3A_134 = arith.constant 0 : i32
      %dma_start3A_135 = tpu.memref_slice %arg15[%mul3A_128, %dma_start3A_134] : memref<10240x128xf32, #tpu.memory_space<vmem_shared>> -> memref<640x128xf32, #tpu.memory_space<vmem_shared>>
      tpu.enqueue_dma source(%dma_start3A_135 : memref<640x128xf32, #tpu.memory_space<vmem_shared>>) target(%dma_start3A_133 : memref<640x128xf32, #tpu.memory_space<hbm>>) target_semaphore(%run_scoped3A : memref<!tpu.dma_semaphore, #tpu.memory_space<semaphore_mem>>)
      %dma_wait3A_136 = arith.constant 0 : i32
      %dma_wait3A_137 = tpu.memref_slice %arg5[%arg0, %mul3A_130, %dma_wait3A_136] : memref<2x10240x128xf32, #tpu.memory_space<hbm>> -> memref<1x640x128xf32, #tpu.memory_space<hbm>>
      %dma_wait3A_138 = tpu.memref_squeeze %dma_wait3A_137 : memref<1x640x128xf32, #tpu.memory_space<hbm>> -> memref<640x128xf32, #tpu.memory_space<hbm>>
      %dma_wait3A_139 = arith.constant 0 : i32
      %dma_wait3A_140 = tpu.memref_slice %arg15[%mul3A_128, %dma_wait3A_139] : memref<10240x128xf32, #tpu.memory_space<vmem_shared>> -> memref<640x128xf32, #tpu.memory_space<vmem_shared>>
      tpu.wait_dma2 semaphore(%run_scoped3A : memref<!tpu.dma_semaphore, #tpu.memory_space<semaphore_mem>>) src(%dma_wait3A_140 : memref<640x128xf32, #tpu.memory_space<vmem_shared>>) dst(%dma_wait3A_138 : memref<640x128xf32, #tpu.memory_space<hbm>>)
      tpu.yield
    }) : () -> ()
    return
  }
}

#map = affine_map<(d0, d1) -> (0, 0, 0)>
#map1 = affine_map<(d0, d1) -> (0)>
module attributes {stable_mosaic.version = 14 : i64} {
  func.func @deg_k(%arg0: i32, %arg1: i32, %arg2: memref<32x125x80xi32, #tpu.memory_space<hbm>>, %arg3: memref<640xf32, #tpu.memory_space<hbm>>, %arg4: memref<16x2x640xf32, #tpu.memory_space<hbm>>, %arg5: memref<125x80xi32, #tpu.memory_space<vmem>>, %arg6: memref<80xf32, #tpu.memory_space<vmem>>, %arg7: memref<10240xf32, #tpu.memory_space<vmem_shared>>, %arg8: memref<!tpu.dma_semaphore, #tpu.memory_space<semaphore_mem>>) attributes {dimension_semantics = [#tpu.dimension_semantics<core_parallel>, #tpu.dimension_semantics<subcore_parallel>], iteration_bounds = array<i64: 2, 16>, scalar_prefetch = 0 : i64, scratch_operands = 4 : i64, tpu.core_type = #tpu.core_type<sc_vector_subcore>, window_params = [{transform_indices = #map}, {transform_indices = #map1}, {transform_indices = #map}]} {
    %mul3A = arith.constant 16 : i32
    %mul3A_0 = arith.muli %arg0, %mul3A : i32
    %add3A = arith.addi %mul3A_0, %arg1 : i32
    "tpu.region"() ({
      %run_scoped3A = tpu.sem_alloc : memref<!tpu.dma_semaphore, #tpu.memory_space<semaphore_mem>>
      %dma_start3A_49 = arith.constant 0 : i32
      %dma_start3A_50 = arith.constant 0 : i32
      %dma_start3A_51 = tpu.memref_slice %arg2[%add3A, %dma_start3A_49, %dma_start3A_50] : memref<32x125x80xi32, #tpu.memory_space<hbm>> -> memref<1x125x80xi32, #tpu.memory_space<hbm>>
      %dma_start3A_52 = tpu.memref_squeeze %dma_start3A_51 : memref<1x125x80xi32, #tpu.memory_space<hbm>> -> memref<125x80xi32, #tpu.memory_space<hbm>>
      %dma_start3A_53 = arith.constant 0 : i32
      %dma_start3A_54 = arith.constant 0 : i32
      %dma_start3A_55 = tpu.memref_slice %arg2[%add3A, %dma_start3A_53, %dma_start3A_54] : memref<32x125x80xi32, #tpu.memory_space<hbm>> -> memref<1x125x80xi32, #tpu.memory_space<hbm>>
      %dma_start3A_56 = tpu.memref_squeeze %dma_start3A_55 : memref<1x125x80xi32, #tpu.memory_space<hbm>> -> memref<125x80xi32, #tpu.memory_space<hbm>>
      tpu.enqueue_dma source(%dma_start3A_56 : memref<125x80xi32, #tpu.memory_space<hbm>>) target(%arg5 : memref<125x80xi32, #tpu.memory_space<vmem>>) target_semaphore(%run_scoped3A : memref<!tpu.dma_semaphore, #tpu.memory_space<semaphore_mem>>)
      %dma_wait3A_57 = arith.constant 0 : i32
      %dma_wait3A_58 = arith.constant 0 : i32
      %dma_wait3A_59 = tpu.memref_slice %arg2[%add3A, %dma_wait3A_57, %dma_wait3A_58] : memref<32x125x80xi32, #tpu.memory_space<hbm>> -> memref<1x125x80xi32, #tpu.memory_space<hbm>>
      %dma_wait3A_60 = tpu.memref_squeeze %dma_wait3A_59 : memref<1x125x80xi32, #tpu.memory_space<hbm>> -> memref<125x80xi32, #tpu.memory_space<hbm>>
      %dma_wait3A_61 = arith.constant 0 : i32
      %dma_wait3A_62 = arith.constant 0 : i32
      %dma_wait3A_63 = tpu.memref_slice %arg2[%add3A, %dma_wait3A_61, %dma_wait3A_62] : memref<32x125x80xi32, #tpu.memory_space<hbm>> -> memref<1x125x80xi32, #tpu.memory_space<hbm>>
      %dma_wait3A_64 = tpu.memref_squeeze %dma_wait3A_63 : memref<1x125x80xi32, #tpu.memory_space<hbm>> -> memref<125x80xi32, #tpu.memory_space<hbm>>
      tpu.wait_dma2 semaphore(%run_scoped3A : memref<!tpu.dma_semaphore, #tpu.memory_space<semaphore_mem>>) src(%dma_wait3A_64 : memref<125x80xi32, #tpu.memory_space<hbm>>) dst(%arg5 : memref<125x80xi32, #tpu.memory_space<vmem>>)
      tpu.yield
    }) : () -> ()
    %mul3A_1 = arith.constant 640 : i32
    %mul3A_2 = arith.muli %arg1, %mul3A_1 : i32
    "tpu.region"() ({
      %run_scoped3A = tpu.sem_alloc : memref<!tpu.dma_semaphore, #tpu.memory_space<semaphore_mem>>
      %dma_start3A_49 = tpu.memref_slice %arg7[%mul3A_2] : memref<10240xf32, #tpu.memory_space<vmem_shared>> -> memref<640xf32, #tpu.memory_space<vmem_shared>>
      tpu.enqueue_dma source(%arg3 : memref<640xf32, #tpu.memory_space<hbm>>) target(%dma_start3A_49 : memref<640xf32, #tpu.memory_space<vmem_shared>>) target_semaphore(%run_scoped3A : memref<!tpu.dma_semaphore, #tpu.memory_space<semaphore_mem>>)
      %dma_wait3A_50 = tpu.memref_slice %arg7[%mul3A_2] : memref<10240xf32, #tpu.memory_space<vmem_shared>> -> memref<640xf32, #tpu.memory_space<vmem_shared>>
      tpu.wait_dma2 semaphore(%run_scoped3A : memref<!tpu.dma_semaphore, #tpu.memory_space<semaphore_mem>>) src(%arg3 : memref<640xf32, #tpu.memory_space<hbm>>) dst(%dma_wait3A_50 : memref<640xf32, #tpu.memory_space<vmem_shared>>)
      tpu.yield
    }) : () -> ()
    %broadcast_in_dim3A = arith.constant 1.000000e+00 : f32
    %broadcast_in_dim3A_3 = vector.broadcast %broadcast_in_dim3A : f32 to vector<16xf32>
    %swap3A = arith.constant 0 : index
    %swap3A_4 = tpu.vector_load %arg6[%swap3A] {strides = array<i32>} : memref<80xf32, #tpu.memory_space<vmem>>, vector<16xf32>,
    %swap3A_5 = vector.shape_cast %swap3A_4 : vector<16xf32> to vector<16xf32>
    %swap3A_6 = vector.shape_cast %broadcast_in_dim3A_3 : vector<16xf32> to vector<16xf32>
    tpu.vector_store %arg6[%swap3A], %swap3A_6 {strides = array<i32>} : memref<80xf32, #tpu.memory_space<vmem>>, vector<16xf32>,
    %broadcast_in_dim3A_7 = arith.constant 1.000000e+00 : f32
    %broadcast_in_dim3A_8 = vector.broadcast %broadcast_in_dim3A_7 : f32 to vector<16xf32>
    %swap3A_9 = arith.constant 16 : index
    %swap3A_10 = tpu.vector_load %arg6[%swap3A_9] {strides = array<i32>} : memref<80xf32, #tpu.memory_space<vmem>>, vector<16xf32>,
    %swap3A_11 = vector.shape_cast %swap3A_10 : vector<16xf32> to vector<16xf32>
    %swap3A_12 = vector.shape_cast %broadcast_in_dim3A_8 : vector<16xf32> to vector<16xf32>
    tpu.vector_store %arg6[%swap3A_9], %swap3A_12 {strides = array<i32>} : memref<80xf32, #tpu.memory_space<vmem>>, vector<16xf32>,
    %broadcast_in_dim3A_13 = arith.constant 1.000000e+00 : f32
    %broadcast_in_dim3A_14 = vector.broadcast %broadcast_in_dim3A_13 : f32 to vector<16xf32>
    %swap3A_15 = arith.constant 32 : index
    %swap3A_16 = tpu.vector_load %arg6[%swap3A_15] {strides = array<i32>} : memref<80xf32, #tpu.memory_space<vmem>>, vector<16xf32>,
    %swap3A_17 = vector.shape_cast %swap3A_16 : vector<16xf32> to vector<16xf32>
    %swap3A_18 = vector.shape_cast %broadcast_in_dim3A_14 : vector<16xf32> to vector<16xf32>
    tpu.vector_store %arg6[%swap3A_15], %swap3A_18 {strides = array<i32>} : memref<80xf32, #tpu.memory_space<vmem>>, vector<16xf32>,
    %broadcast_in_dim3A_19 = arith.constant 1.000000e+00 : f32
    %broadcast_in_dim3A_20 = vector.broadcast %broadcast_in_dim3A_19 : f32 to vector<16xf32>
    %swap3A_21 = arith.constant 48 : index
    %swap3A_22 = tpu.vector_load %arg6[%swap3A_21] {strides = array<i32>} : memref<80xf32, #tpu.memory_space<vmem>>, vector<16xf32>,
    %swap3A_23 = vector.shape_cast %swap3A_22 : vector<16xf32> to vector<16xf32>
    %swap3A_24 = vector.shape_cast %broadcast_in_dim3A_20 : vector<16xf32> to vector<16xf32>
    tpu.vector_store %arg6[%swap3A_21], %swap3A_24 {strides = array<i32>} : memref<80xf32, #tpu.memory_space<vmem>>, vector<16xf32>,
    %broadcast_in_dim3A_25 = arith.constant 1.000000e+00 : f32
    %broadcast_in_dim3A_26 = vector.broadcast %broadcast_in_dim3A_25 : f32 to vector<16xf32>
    %swap3A_27 = arith.constant 64 : index
    %swap3A_28 = tpu.vector_load %arg6[%swap3A_27] {strides = array<i32>} : memref<80xf32, #tpu.memory_space<vmem>>, vector<16xf32>,
    %swap3A_29 = vector.shape_cast %swap3A_28 : vector<16xf32> to vector<16xf32>
    %swap3A_30 = vector.shape_cast %broadcast_in_dim3A_26 : vector<16xf32> to vector<16xf32>
    tpu.vector_store %arg6[%swap3A_27], %swap3A_30 {strides = array<i32>} : memref<80xf32, #tpu.memory_space<vmem>>, vector<16xf32>,
    %barrier3A = arith.constant 0 : index
    tpu.barrier barrier_id(%barrier3A)
    %dma_start3A = arith.constant 0 : i32
    %dma_start3A_31 = arith.constant 0 : i32
    %dma_start3A_32 = tpu.memref_slice %arg5[%dma_start3A, %dma_start3A_31] : memref<125x80xi32, #tpu.memory_space<vmem>> -> memref<1x80xi32, #tpu.memory_space<vmem>>
    %dma_start3A_33 = tpu.memref_squeeze %dma_start3A_32 : memref<1x80xi32, #tpu.memory_space<vmem>> -> memref<80xi32, #tpu.memory_space<vmem>>
    %dma_start3A_34 = arith.constant 0 : i32
    %dma_start3A_35 = tpu.memref_slice %arg7[%dma_start3A_34] : memref<10240xf32, #tpu.memory_space<vmem_shared>> -> memref<10240xf32, #tpu.memory_space<vmem_shared>>
    tpu.enqueue_indirect_dma source(%arg6 : memref<80xf32, #tpu.memory_space<vmem>>) target(%dma_start3A_35 : memref<10240xf32, #tpu.memory_space<vmem_shared>>) offsets(%dma_start3A_33 : memref<80xi32, #tpu.memory_space<vmem>>) semaphore(%arg8 : memref<!tpu.dma_semaphore, #tpu.memory_space<semaphore_mem>>) {add = true}
    %scan3A = arith.constant 0 : i32
    %scan3A_36 = arith.constant 0 : i32
    %scan3A_37 = arith.constant 124 : i32
    %scan3A_38 = arith.addi %scan3A_36, %scan3A_37 : i32
    %scan3A_39 = arith.constant 1 : i32
    scf.for %scan3A_49 = %scan3A_36 to %scan3A_38 step %scan3A_39  : i32 {
      %add3A_50 = arith.constant 1 : i32
      %add3A_51 = arith.addi %scan3A_49, %add3A_50 : i32
      %dma_start3A_52 = arith.constant 0 : i32
      %dma_start3A_53 = tpu.memref_slice %arg5[%add3A_51, %dma_start3A_52] : memref<125x80xi32, #tpu.memory_space<vmem>> -> memref<1x80xi32, #tpu.memory_space<vmem>>
      %dma_start3A_54 = tpu.memref_squeeze %dma_start3A_53 : memref<1x80xi32, #tpu.memory_space<vmem>> -> memref<80xi32, #tpu.memory_space<vmem>>
      %dma_start3A_55 = arith.constant 0 : i32
      %dma_start3A_56 = tpu.memref_slice %arg7[%dma_start3A_55] : memref<10240xf32, #tpu.memory_space<vmem_shared>> -> memref<10240xf32, #tpu.memory_space<vmem_shared>>
      tpu.enqueue_indirect_dma source(%arg6 : memref<80xf32, #tpu.memory_space<vmem>>) target(%dma_start3A_56 : memref<10240xf32, #tpu.memory_space<vmem_shared>>) offsets(%dma_start3A_54 : memref<80xi32, #tpu.memory_space<vmem>>) semaphore(%arg8 : memref<!tpu.dma_semaphore, #tpu.memory_space<semaphore_mem>>) {add = true}
      %dma_wait3A_57 = arith.constant 0 : i32
      %dma_wait3A_58 = tpu.memref_slice %arg5[%scan3A_49, %dma_wait3A_57] : memref<125x80xi32, #tpu.memory_space<vmem>> -> memref<1x80xi32, #tpu.memory_space<vmem>>
      %dma_wait3A_59 = tpu.memref_squeeze %dma_wait3A_58 : memref<1x80xi32, #tpu.memory_space<vmem>> -> memref<80xi32, #tpu.memory_space<vmem>>
      %dma_wait3A_60 = arith.constant 0 : i32
      %dma_wait3A_61 = tpu.memref_slice %arg7[%dma_wait3A_60] : memref<10240xf32, #tpu.memory_space<vmem_shared>> -> memref<10240xf32, #tpu.memory_space<vmem_shared>>
      tpu.wait_indirect_dma semaphore(%arg8 : memref<!tpu.dma_semaphore, #tpu.memory_space<semaphore_mem>>) src(%arg6 : memref<80xf32, #tpu.memory_space<vmem>>) dst(%dma_wait3A_61 : memref<10240xf32, #tpu.memory_space<vmem_shared>>)
    }
    %scan3A_40 = arith.constant 124 : i32
    %dma_wait3A = arith.constant 124 : i32
    %dma_wait3A_41 = arith.constant 0 : i32
    %dma_wait3A_42 = tpu.memref_slice %arg5[%dma_wait3A, %dma_wait3A_41] : memref<125x80xi32, #tpu.memory_space<vmem>> -> memref<1x80xi32, #tpu.memory_space<vmem>>
    %dma_wait3A_43 = tpu.memref_squeeze %dma_wait3A_42 : memref<1x80xi32, #tpu.memory_space<vmem>> -> memref<80xi32, #tpu.memory_space<vmem>>
    %dma_wait3A_44 = arith.constant 0 : i32
    %dma_wait3A_45 = tpu.memref_slice %arg7[%dma_wait3A_44] : memref<10240xf32, #tpu.memory_space<vmem_shared>> -> memref<10240xf32, #tpu.memory_space<vmem_shared>>
    tpu.wait_indirect_dma semaphore(%arg8 : memref<!tpu.dma_semaphore, #tpu.memory_space<semaphore_mem>>) src(%arg6 : memref<80xf32, #tpu.memory_space<vmem>>) dst(%dma_wait3A_45 : memref<10240xf32, #tpu.memory_space<vmem_shared>>)
    %barrier3A_46 = arith.constant 0 : index
    tpu.barrier barrier_id(%barrier3A_46)
    %mul3A_47 = arith.constant 640 : i32
    %mul3A_48 = arith.muli %arg1, %mul3A_47 : i32
    "tpu.region"() ({
      %run_scoped3A = tpu.sem_alloc : memref<!tpu.dma_semaphore, #tpu.memory_space<semaphore_mem>>
      %dma_start3A_49 = arith.constant 0 : i32
      %dma_start3A_50 = tpu.memref_slice %arg4[%arg1, %arg0, %dma_start3A_49] : memref<16x2x640xf32, #tpu.memory_space<hbm>> -> memref<1x1x640xf32, #tpu.memory_space<hbm>>
      %dma_start3A_51 = tpu.memref_squeeze %dma_start3A_50 : memref<1x1x640xf32, #tpu.memory_space<hbm>> -> memref<640xf32, #tpu.memory_space<hbm>>
      %dma_start3A_52 = tpu.memref_slice %arg7[%mul3A_48] : memref<10240xf32, #tpu.memory_space<vmem_shared>> -> memref<640xf32, #tpu.memory_space<vmem_shared>>
      tpu.enqueue_dma source(%dma_start3A_52 : memref<640xf32, #tpu.memory_space<vmem_shared>>) target(%dma_start3A_51 : memref<640xf32, #tpu.memory_space<hbm>>) target_semaphore(%run_scoped3A : memref<!tpu.dma_semaphore, #tpu.memory_space<semaphore_mem>>)
      %dma_wait3A_53 = arith.constant 0 : i32
      %dma_wait3A_54 = tpu.memref_slice %arg4[%arg1, %arg0, %dma_wait3A_53] : memref<16x2x640xf32, #tpu.memory_space<hbm>> -> memref<1x1x640xf32, #tpu.memory_space<hbm>>
      %dma_wait3A_55 = tpu.memref_squeeze %dma_wait3A_54 : memref<1x1x640xf32, #tpu.memory_space<hbm>> -> memref<640xf32, #tpu.memory_space<hbm>>
      %dma_wait3A_56 = tpu.memref_slice %arg7[%mul3A_48] : memref<10240xf32, #tpu.memory_space<vmem_shared>> -> memref<640xf32, #tpu.memory_space<vmem_shared>>
      tpu.wait_dma2 semaphore(%run_scoped3A : memref<!tpu.dma_semaphore, #tpu.memory_space<semaphore_mem>>) src(%dma_wait3A_56 : memref<640xf32, #tpu.memory_space<vmem_shared>>) dst(%dma_wait3A_55 : memref<640xf32, #tpu.memory_space<hbm>>)
      tpu.yield
    }) : () -> ()
    return
  }
}

module attributes {stable_mosaic.version = 14 : i64} {
  func.func @_scale_body(%arg0: i32, %arg1: memref<1x2x640xf32, #tpu.memory_space<vmem>>, %arg2: memref<1x640x128xf32, #tpu.memory_space<vmem>>, %arg3: memref<640x128xf32, #tpu.memory_space<vmem>>) attributes {dimension_semantics = [#tpu.dimension_semantics<arbitrary>], iteration_bounds = array<i64: 16>, scalar_prefetch = 0 : i64, scratch_operands = 0 : i64, tpu.core_type = #tpu.core_type<tc>, window_params = [{transform_indices = @transform_0, window_bounds = array<i64: 1, 2, 640>}, {transform_indices = @transform_1, window_bounds = array<i64: 1, 640, 128>}, {transform_indices = @transform_2, window_bounds = array<i64: 640, 128>}]} {
    %get3A = arith.constant 0 : index
    %get3A_0 = arith.constant 0 : index
    %get3A_1 = arith.constant 0 : index
    %get3A_2 = vector.load %arg1[%get3A, %get3A_0, %get3A_1] : memref<1x2x640xf32, #tpu.memory_space<vmem>>, vector<1x2x640xf32>
    %get3A_3 = vector.shape_cast %get3A_2 : vector<1x2x640xf32> to vector<2x640xf32>
    %slice3A = vector.extract_strided_slice %get3A_3 {offsets = [0, 0], sizes = [1, 640], strides = [1, 1]} : vector<2x640xf32> to vector<1x640xf32>
    %squeeze3A = vector.shape_cast %slice3A : vector<1x640xf32> to vector<640xf32>
    %slice3A_4 = vector.extract_strided_slice %get3A_3 {offsets = [1, 0], sizes = [1, 640], strides = [1, 1]} : vector<2x640xf32> to vector<1x640xf32>
    %squeeze3A_5 = vector.shape_cast %slice3A_4 : vector<1x640xf32> to vector<640xf32>
    %add3A = arith.addf %squeeze3A, %squeeze3A_5 : vector<640xf32>
    %gt3A = arith.constant 0.000000e+00 : f32
    %gt3A_6 = vector.broadcast %gt3A : f32 to vector<640xf32>
    %gt3A_7 = arith.cmpf ogt, %add3A, %gt3A_6 : vector<640xf32>
    %rsqrt3A = math.rsqrt %add3A : vector<640xf32>
    %jit3A = arith.constant 0.000000e+00 : f32
    %broadcast_in_dim3A = vector.broadcast %jit3A : f32 to vector<640xf32>
    %select_n3A = arith.select %gt3A_7, %rsqrt3A, %broadcast_in_dim3A : vector<640xi1>, vector<640xf32>
    %get3A_8 = arith.constant 0 : index
    %get3A_9 = arith.constant 0 : index
    %get3A_10 = arith.constant 0 : index
    %get3A_11 = vector.load %arg2[%get3A_8, %get3A_9, %get3A_10] : memref<1x640x128xf32, #tpu.memory_space<vmem>>, vector<1x640x128xf32>
    %squeeze3A_12 = vector.shape_cast %get3A_11 : vector<1x640x128xf32> to vector<640x128xf32>
    %broadcast_in_dim3A_13 = vector.shape_cast %select_n3A : vector<640xf32> to vector<640x1xf32>
    %mul3A = vector.broadcast %broadcast_in_dim3A_13 : vector<640x1xf32> to vector<640x128xf32>
    %mul3A_14 = arith.mulf %squeeze3A_12, %mul3A : vector<640x128xf32>
    %swap3A = arith.constant 0 : index
    %swap3A_15 = arith.constant 0 : index
    %swap3A_16 = vector.load %arg3[%swap3A, %swap3A_15] : memref<640x128xf32, #tpu.memory_space<vmem>>, vector<640x128xf32>
    tpu.vector_store %arg3[%swap3A, %swap3A_15], %mul3A_14 {strides = array<i32>} : memref<640x128xf32, #tpu.memory_space<vmem>>, vector<640x128xf32>,
    return
  }
  func.func @transform_0(%arg0: i32) -> (i32, i32, i32) {
    %c0_i32 = arith.constant 0 : i32
    %c0_i32_0 = arith.constant 0 : i32
    %c0_i32_1 = arith.constant 0 : i32
    return %arg0, %c0_i32, %c0_i32_0 : i32, i32, i32
  }
  func.func @transform_1(%arg0: i32) -> (i32, i32, i32) {
    %c0_i32 = arith.constant 0 : i32
    %c0_i32_0 = arith.constant 0 : i32
    %c0_i32_1 = arith.constant 0 : i32
    return %c0_i32, %arg0, %c0_i32_0 : i32, i32, i32
  }
  func.func @transform_2(%arg0: i32) -> (i32, i32) {
    %c0_i32 = arith.constant 0 : i32
    %c0_i32_0 = arith.constant 0 : i32
    return %arg0, %c0_i32 : i32, i32
  }
}

module attributes {stable_mosaic.version = 14 : i64} {
  func.func @_scale_body(%arg0: i32, %arg1: memref<1x2x640xf32, #tpu.memory_space<vmem>>, %arg2: memref<2x640x128xf32, #tpu.memory_space<vmem>>, %arg3: memref<640x128xf32, #tpu.memory_space<vmem>>) attributes {dimension_semantics = [#tpu.dimension_semantics<arbitrary>], iteration_bounds = array<i64: 16>, scalar_prefetch = 0 : i64, scratch_operands = 0 : i64, tpu.core_type = #tpu.core_type<tc>, window_params = [{transform_indices = @transform_0, window_bounds = array<i64: 1, 2, 640>}, {transform_indices = @transform_1, window_bounds = array<i64: 2, 640, 128>}, {transform_indices = @transform_2, window_bounds = array<i64: 640, 128>}]} {
    %get3A = arith.constant 0 : index
    %get3A_0 = arith.constant 0 : index
    %get3A_1 = arith.constant 0 : index
    %get3A_2 = vector.load %arg1[%get3A, %get3A_0, %get3A_1] : memref<1x2x640xf32, #tpu.memory_space<vmem>>, vector<1x2x640xf32>
    %get3A_3 = vector.shape_cast %get3A_2 : vector<1x2x640xf32> to vector<2x640xf32>
    %slice3A = vector.extract_strided_slice %get3A_3 {offsets = [0, 0], sizes = [1, 640], strides = [1, 1]} : vector<2x640xf32> to vector<1x640xf32>
    %squeeze3A = vector.shape_cast %slice3A : vector<1x640xf32> to vector<640xf32>
    %slice3A_4 = vector.extract_strided_slice %get3A_3 {offsets = [1, 0], sizes = [1, 640], strides = [1, 1]} : vector<2x640xf32> to vector<1x640xf32>
    %squeeze3A_5 = vector.shape_cast %slice3A_4 : vector<1x640xf32> to vector<640xf32>
    %add3A = arith.addf %squeeze3A, %squeeze3A_5 : vector<640xf32>
    %gt3A = arith.constant 0.000000e+00 : f32
    %gt3A_6 = vector.broadcast %gt3A : f32 to vector<640xf32>
    %gt3A_7 = arith.cmpf ogt, %add3A, %gt3A_6 : vector<640xf32>
    %rsqrt3A = math.rsqrt %add3A : vector<640xf32>
    %jit3A = arith.constant 0.000000e+00 : f32
    %broadcast_in_dim3A = vector.broadcast %jit3A : f32 to vector<640xf32>
    %select_n3A = arith.select %gt3A_7, %rsqrt3A, %broadcast_in_dim3A : vector<640xi1>, vector<640xf32>
    %get3A_8 = arith.constant 0 : index
    %get3A_9 = arith.constant 0 : index
    %get3A_10 = arith.constant 0 : index
    %get3A_11 = vector.load %arg2[%get3A_8, %get3A_9, %get3A_10] : memref<2x640x128xf32, #tpu.memory_space<vmem>>, vector<2x640x128xf32>
    %slice3A_12 = vector.extract_strided_slice %get3A_11 {offsets = [0, 0, 0], sizes = [1, 640, 128], strides = [1, 1, 1]} : vector<2x640x128xf32> to vector<1x640x128xf32>
    %squeeze3A_13 = vector.shape_cast %slice3A_12 : vector<1x640x128xf32> to vector<640x128xf32>
    %slice3A_14 = vector.extract_strided_slice %get3A_11 {offsets = [1, 0, 0], sizes = [1, 640, 128], strides = [1, 1, 1]} : vector<2x640x128xf32> to vector<1x640x128xf32>
    %squeeze3A_15 = vector.shape_cast %slice3A_14 : vector<1x640x128xf32> to vector<640x128xf32>
    %add3A_16 = arith.addf %squeeze3A_13, %squeeze3A_15 : vector<640x128xf32>
    %broadcast_in_dim3A_17 = vector.shape_cast %select_n3A : vector<640xf32> to vector<640x1xf32>
    %mul3A = vector.broadcast %broadcast_in_dim3A_17 : vector<640x1xf32> to vector<640x128xf32>
    %mul3A_18 = arith.mulf %add3A_16, %mul3A : vector<640x128xf32>
    %swap3A = arith.constant 0 : index
    %swap3A_19 = arith.constant 0 : index
    %swap3A_20 = vector.load %arg3[%swap3A, %swap3A_19] : memref<640x128xf32, #tpu.memory_space<vmem>>, vector<640x128xf32>
    tpu.vector_store %arg3[%swap3A, %swap3A_19], %mul3A_18 {strides = array<i32>} : memref<640x128xf32, #tpu.memory_space<vmem>>, vector<640x128xf32>,
    return
  }
  func.func @transform_0(%arg0: i32) -> (i32, i32, i32) {
    %c0_i32 = arith.constant 0 : i32
    %c0_i32_0 = arith.constant 0 : i32
    %c0_i32_1 = arith.constant 0 : i32
    return %arg0, %c0_i32, %c0_i32_0 : i32, i32, i32
  }
  func.func @transform_1(%arg0: i32) -> (i32, i32, i32) {
    %c0_i32 = arith.constant 0 : i32
    %c0_i32_0 = arith.constant 0 : i32
    %c0_i32_1 = arith.constant 0 : i32
    return %c0_i32, %arg0, %c0_i32_0 : i32, i32, i32
  }
  func.func @transform_2(%arg0: i32) -> (i32, i32) {
    %c0_i32 = arith.constant 0 : i32
    %c0_i32_0 = arith.constant 0 : i32
    return %arg0, %c0_i32 : i32, i32
  }
}

</mosaic_0001>

<sc_bundles>
// kernel: kernel.6.cloned.1.call-start
scs
__scs_entry_jumppad:
0x0: {  	(pc) =	sbr.rel $0x88, $3  }
0x1: {  	(tag) =	ssettag $0x0;
	lr =	simm.s32 $0x1  }
0x2: {  	[smem:$0x3F9F] =	sst lr;
	_ =	strace $0xD0000000  }
0x3: {  	_ = 	snop  }
0x4: {  	_ = 	snop  }
0x5: {  	_ = 	snop  }
0x6: {  	_ = 	snop  }
0x7: {  	_ = 	snop  }
__scs_overlays_trampoline_lowered:
0x8: {  	[smem:$0x3FAE] =	sst s0  }
0x9: {  	[smem:$0x3FAF] =	sst s1  }
0xa: {  	[smem:$0x3FB0] =	sst s2  }
0xb: {  	[smem:$0x3FB1] =	sst s3  }
0xc: {  	[smem:$0x3FB2] =	sst s4  }
0xd: {  	[smem:$0x3FB3] =	sst s5  }
0xe: {  	[smem:$0x3FB4] =	sst s6  }
0xf: {  	[smem:$0x3FB5] =	sst s7  }
0x10: {  	[smem:$0x3FB6] =	sst s8  }
0x11: {  	[smem:$0x3FB7] =	sst s9;
	s0 =	simm.s32 @!p0 $0x0  }
0x12: {  	s1 =	sld [smem:$0x3F9D];
	s0 =	simm.s32 @p0 $0x1  }
0x13: {  	[smem:$0x3FB8] =	sst s0;
	s0 =	simm.s32 @!p1 $0x0  }
0x14: {  	s2 =	sld [smem:$0x3F9C];
	s0 =	simm.s32 @p1 $0x1  }
0x15: {  	[smem:$0x3FB9] =	sst s0;
	s0 =	simm.s32 @!p2 $0x0  }
0x16: {  	s3 =	sld [smem:$0x3FDB];
	s0 =	simm.s32 @p2 $0x1  }
0x17: {  	s4 =	simm.s32 $0x1BF5;
	[smem:$0x3FBB] =	sst s0  }
0x18: {  	s0 =	sld [smem:$0x3F9E];
	_ =	swait.ge [sflag:s4], $0x0  }
0x19: {  	s7 =	sld [smem:$0x3F9F]  }
0x1a: {  	s8 =	sadd.s32 $0xFFFFE003, lr  }
0x1b: {  	s9 =	sadd.s32 $0xFFFFFEF7, lr;
	s5 =	simm.s32 $0xFFFFFFFF;
	p2 =	slt.u32 s8, $0xFFFFF086  }
0x1c: {  	p1 =	slt.u32 s9, $0xF7A;
	s5 =	simm.s32 @!p2 $0x0  }
0x1d: {  	s5 =	simm.s32 @p1 $0x1;
	p0 =	seq.s32 s7, s2  }
0x1e: {  	s7 =	smul.u32 @!p0 $0xF7A, s2;
	p2 =	seq.s32 @!p0 s5, $0x0  }
0x1f: {  	s9 =	smul.u32 $0xF7A, s1;
	s8 =	simm.s32 @!p0 $0x1BF5;
	p2 =	por !p2, p0  }
0x20: {  	[sflag:s8] =	ssyncset.s32 @!p0 $0xFFFFF086;
	s6 =	sadd.s32 @!p0 s3, s7;
	s7 =	simm.s32 @!p0 $0x108  }
0x21: {  	s3 =	sadd.s32 s3, s9;
	s6 =	sadd.s32 @!p0 $0x88, s6;
	s7 =	simm.s32 @p2 $0x1082  }
0x22: {  	[simem:s7], [sflag:s8] =	dma.local @!p0 [hbm:s6], $0xF7A  }
0x23: {  	s9 =	sor.u32 $0xD0000000, s2;
	s6 =	simm.s32 $0x108;
	_ =	swait.ge @!p0 [sflag:s8], $0x0  }
0x24: {  	s3 =	sadd.s32 $0x88, s3;
	s6 =	simm.s32 @!p1 $0x1082;
	[sflag:s4] =	ssyncset.s32 $0xFFFFF086  }
0x25: {  	[simem:s6], [sflag:s4] =	dma.local [hbm:s3], $0xF7A  }
0x26: {  	[smem:$0x3F9F] =	sst s1;
	(tag) =	ssettag s2;
	_ =	strace s9  }
0x27: {  	s1 =	sld [smem:$0x3FAF]  }
0x28: {  	s2 =	sld [smem:$0x3FB0]  }
0x29: {  	s4 =	sld [smem:$0x3FB2]  }
0x2a: {  	p0 =	seq.s32 s5, $0x0;
	s5 =	sld [smem:$0x3FB3]  }
0x2b: {  	s6 =	sld [smem:$0x3FB4]  }
0x2c: {  	s7 =	sld [smem:$0x3FB5]  }
0x2d: {  	s3 =	simm.s32 $0x108;
	s8 =	sld [smem:$0x3FB6]  }
0x2e: {  	s3 =	simm.s32 @!p0 $0x1082;
	s9 =	sld [smem:$0x3FB7]  }
0x2f: {  	lr =	sadd.s32 s0, s3;
	s0 =	sld [smem:$0x3FAE]  }
0x30: {  	s3 =	sld [smem:$0x3FB1]  }
0x31: {  	[smem:$0x3FBA] =	sst s10  }
0x32: {  	s10 =	sld [smem:$0x3FB8];
	_ =	sdelay $0x3  }
0x33: {  	p0 =	seq.s32 s10, $0x1;
	s10 =	sld [smem:$0x3FBA];
	_ =	sdelay $0x3  }
0x34: {  	[smem:$0x3FBA] =	sst s10  }
0x35: {  	s10 =	sld [smem:$0x3FB9];
	_ =	sdelay $0x3  }
0x36: {  	p1 =	seq.s32 s10, $0x1;
	s10 =	sld [smem:$0x3FBA];
	_ =	sdelay $0x3  }
0x37: {  	[smem:$0x3FBA] =	sst s10  }
0x38: {  	s10 =	sld [smem:$0x3FBB]  }
0x39: {  	_ = 	snop;
	(pc) =	sbr.ind lr, $3  }
0x3a: {  	_ = 	snop  }
0x3b: {  	_ = 	snop  }
0x3c: {  	p2 =	seq.s32 s10, $0x1;
	s10 =	sld [smem:$0x3FBA]  }
0x3d: {  	_ =	shalt  }
0x3e: {  	_ =	shalt  }
0x3f: {  	_ =	shalt  }
0x40: {  	_ =	shalt  }
0x41: {  	_ =	shalt  }
0x42: {  	_ =	shalt  }
0x43: {  	_ =	shalt  }
0x44: {  	_ =	shalt  }
0x45: {  	_ =	shalt  }
0x46: {  	_ =	shalt  }
0x47: {  	_ =	shalt  }
0x48: {  	_ =	shalt  }
0x49: {  	_ =	shalt  }
0x4a: {  	_ =	shalt  }
0x4b: {  	_ =	shalt  }
0x4c: {  	_ =	shalt  }
0x4d: {  	_ =	shalt  }
0x4e: {  	_ =	shalt  }
0x4f: {  	_ =	shalt  }
0x50: {  	_ =	shalt  }
0x51: {  	_ =	shalt  }
0x52: {  	_ =	shalt  }
0x53: {  	_ =	shalt  }
0x54: {  	_ =	shalt  }
0x55: {  	_ =	shalt  }
0x56: {  	_ =	shalt  }
0x57: {  	_ =	shalt  }
0x58: {  	_ =	shalt  }
0x59: {  	_ =	shalt  }
0x5a: {  	_ =	shalt  }
0x5b: {  	_ =	shalt  }
0x5c: {  	_ =	shalt  }
0x5d: {  	_ =	shalt  }
0x5e: {  	_ =	shalt  }
0x5f: {  	_ =	shalt  }
0x60: {  	_ =	shalt  }
0x61: {  	_ =	shalt  }
0x62: {  	_ =	shalt  }
0x63: {  	_ =	shalt  }
0x64: {  	_ =	shalt  }
0x65: {  	_ =	shalt  }
0x66: {  	_ =	shalt  }
0x67: {  	_ =	shalt  }
0x68: {  	_ =	shalt  }
0x69: {  	_ =	shalt  }
0x6a: {  	_ =	shalt  }
0x6b: {  	_ =	shalt  }
0x6c: {  	_ =	shalt  }
0x6d: {  	_ =	shalt  }
0x6e: {  	_ =	shalt  }
0x6f: {  	_ =	shalt  }
0x70: {  	_ =	shalt  }
0x71: {  	_ =	shalt  }
0x72: {  	_ =	shalt  }
0x73: {  	_ =	shalt  }
0x74: {  	_ =	shalt  }
0x75: {  	_ =	shalt  }
0x76: {  	_ =	shalt  }
0x77: {  	_ =	shalt  }
0x78: {  	_ =	shalt  }
0x79: {  	_ =	shalt  }
0x7a: {  	_ =	shalt  }
0x7b: {  	_ =	shalt  }
0x7c: {  	_ =	shalt  }
0x7d: {  	_ =	shalt  }
0x7e: {  	_ =	shalt  }
0x7f: {  	_ =	shalt  }
0x80: {  	_ =	shalt  }
0x81: {  	_ =	shalt  }
0x82: {  	_ =	shalt  }
0x83: {  	_ =	shalt  }
0x84: {  	_ =	shalt  }
0x85: {  	_ =	shalt  }
0x86: {  	_ =	shalt  }
0x87: {  	_ =	shalt  }
.Lfunc_end0:
.L_simem_size_0:
called_computation_lowered:
.L_overlay_start_0:
0x88: {  	s2 =	sld [smem:$0x3FD9]  }
0x89: {  	s3 =	sld [smem:$0x3FFE];
	_ =	sdelay $0x1  }
0x8a: {  	s1 =	srdreg.scid  }
0x8b: {  	s0 =	sand.u32 $0x1, s1  }
0x8c: {  	s16 =	sshll.u32 s0, $0xA;
	s2 =	sadd.s32 s3, s2  }
0x8d: {  	s2 =	sadd.s32 s2, s16  }
0x8e: {  	[smem:$0x3FC6] =	sst s2  }
0x8f: {  	_ = 	snop  }
0x90: {  	(tm) =	ssettm $0x1  }
0x91: {  	s17 =	sld [smem:$0x3FFB];
	_ =	sdelay $0x3  }
0x92: {  	_ =	strace s17  }
0x93: {  	s2 =	sld [smem:$0x3FFC];
	_ =	sdelay $0x3  }
0x94: {  	_ =	strace s2  }
0x95: {  	s2 =	sld [smem:$0x3FFD];
	_ =	sdelay $0x3  }
0x96: {  	_ =	strace s2  }
0x97: {  	_ =	strace $0x8FFFFFFF  }
0x98: {  	s18 =	sld [smem:$0x3FDB];
	_ =	sdelay $0x1  }
0x99: {  	s19 =	simm.s32 $_scs_section_size  }
0x9a: {  	s4 =	simm.s32 $_size__tile_overlayer_lowered;
	s5 =	simm.s32 $_tile_overlayer_lowered  }
0x9b: {  	s22 =	simm.s32 $0x1BFF;
	s21 =	sshll.u32 s5, $0x1;
	s2 =	sadd.s32 s19, s18  }
0x9c: {  	s6 =	simm.s32 $0x0;
	s20 =	sshll.u32 s4, $0x1;
	s4 =	sadd.s32 s21, s2  }
0x9d: {  	[timem:s6], [sflag:s22] =	dma.local [hbm:s4], s20  }
0x9e: {  	_ =	swait.ge [sflag:s22], s20  }
0x9f: {  	s3 =	ssub.s32 $0x0, s20;
	[sflag:s22] =	ssyncset.done $0x0  }
0xa0: {  	[sflag:s22] =	ssyncadd.s32 s3;
	_ =	sdelay $0x1  }
0xa1: {  	s23 =	simm.s32 $0x1B8B  }
0xa2: {  	_ =	swait.ge [sflag:s23], $0x1  }
0xa3: {  	[sflag:s23] =	ssyncset.done $0x0  }
0xa4: {  	s25 =	simm.s32 $0x1B8E;
	s24 =	sld [smem:$0x3FFE];
	[sflag:s23] =	ssyncadd.s32 $0xFFFFFFFF  }
0xa5: {  	s26 =	simm.s32 $execute0_lowered;
	[smem:$0x3FD2] =	sst s25  }
0xa6: {  	s4 =	sshll.u32 s26, $0x1;
	_ =	strace $0x80000046;
	[dreg:$0x1] =	wrdreg $0xFFFFFFFF  }
0xa7: {  	s28 =	simm.s32 $_size_execute0_lowered;
	s2 =	sadd.s32 s2, s4;
	[dreg:$0x0] =	wrdreg $0x0  }
0xa8: {  	s4 =	sshll.u32 s28, $0x1;
	[dreg:$0x2] =	wrdreg s2  }
0xa9: {  	[dreg:$0x3] =	wrdreg s4  }
0xaa: {  	[dreg:$0x4] =	wrdreg $0xC0  }
0xab: {  	_ =	task [dreg:s6], $0x5FFFF  }
0xac: {  	[dreg:$0x1] =	wrdreg $0xFFFFFFFF  }
0xad: {  	[dreg:$0x0] =	wrdreg $0x60  }
0xae: {  	[dreg:$0x2] =	wrdreg s24  }
0xaf: {  	[dreg:$0x3] =	wrdreg $0x40800  }
0xb0: {  	[dreg:$0x4] =	wrdreg $0x9  }
0xb1: {  	_ =	task.clear_ibuf [dreg:s6], $0x5FFFF;
	_ =	strace $0x90000046  }
0xb2: {  	s29 =	simm.s32 $0x9;
	_ =	strace $0x80000048  }
0xb3: {  	_ =	swait.ge [sflag:s29], $0x1  }
0xb4: {  	[sflag:s29] =	ssyncadd.s32 $0xFFFFFFFF  }
0xb5: {  	_ =	strace $0x90000048  }
0xb6: {  	_ =	sfence  }
0xb7: {  	s30 =	sld [smem:$0x0];
	_ =	sdelay $0x2  }
0xb8: {  	s31 =	sshll.u32 s1, $0xD;
	s1 =	sshrl.u32 s1, $0x2  }
0xb9: {  	s3 =	sand.u32 $0x4000, s31;
	s1 =	sadd.s32 s1, s30  }
0xba: {  	s0 =	sor.u32 s3, s0;
	s1 =	sshll.u32 s1, $0x11  }
0xbb: {  	s0 =	sor.u32 s1, s0  }
0xbc: {  	s0 =	sadd.s32 $0x8F2B, s0  }
0xbd: {  	[sflag:s0] =	ssyncadd.remote.s32 $0x1  }
0xbe: {  	_ =	sfence.sel $0xFFFF  }
0xbf: {  	[dreg:$0x0] =	wrdreg $0xFFFFFFFF;
	(pc) =	sbr.abs _section_cstart, $3  }
0xc0: {  	[dreg:$0x1] =	wrdreg $0xFFFFFFFF  }
0xc1: {  	_ =	task.clear_ibuf [dreg:s6], $0x2FFFF;
	_ =	strace $0x9FFFFFFF  }
0xc2: {  	(tm) =	ssettm $0x7FFFFFFF  }
0xc3: {  	_ =	shalt  }
tec
execute0_lowered:
.L_overlay_start_1:
0x0: {  	(tag) =	ssettag $0x1  }
0x1: {  	s5 =	rddreg [dreg:$0x0]  }
0x2: {  	s2 =	rddreg [dreg:$0x1]  }
0x3: {  	s0 =	rddreg [dreg:$0x2]  }
0x4: {  	s1 =	stileid.u32;
	s4 =	srdreg.scid  }
0x5: {  	s3 =	simm.s32 $0x0;
	s11 =	simm.s32 $0x50;
	s12 =	simm.s32 $0x4000  }
0x6: {  	s13 =	simm.s32 $0x1;
	s14 =	simm.s32 $0x20;
	s15 =	simm.s32 $0x10  }
0x7: {  	s16 =	simm.s32 $0x0;
	s6 =	sand.u32 $0x1, s4;
	s25 =	smul.u32 $0x500, s1  }
0x8: {  	[smem:$0x7FF] =	sst s3;
	s7 =	sshll.u32 s1, $0xB;
	s4 =	sadd.s32 $0x11400, s5  }
0x9: {  	s9 =	smul.u32 $0xA00, s1;
	s31 =	sshll.u32 s1, $0x6;
	s8 =	sshll.u32 s6, $0x7  }
0xa: {  	_ =	strace $0x80000047;
	s7 =	sadd.s32 s7, s5;
	s26 =	ssub.s32 $0x2, s6  }
0xb: {  	s6 =	sshll.u32 s6, $0xF;
	s8 =	sor.u32 s8, s25;
	s10 =	sshrl.u32 s26, $0x1  }
0xc: {  	s6 =	sadd.s32 s6, s7;
	s28 =	sshrl.u32 s9, $0x2;
	s9 =	sor.u32 $0x1C02, s31  }
0xd: {  	s8 =	sshrl.u32 s8, $0x3;
	s29 =	ssub.s32 s26, s10;
	s30 =	sadd.s32 s28, s2  }
0xe: {  	s8 =	sadd.s32 s8, s5;
	s5 =	sadd.s32 $0x1400, s6;
	s7 =	smax.u32 s29, $0x1  }
0xf: {  	v0 =	vimm.f32 $1.000000000e+00;
	s10 =	sshrl.u32 s30, $0x3;
	s6 =	sadd.s32 $0x11600, s8;
	s8 =	simm.s32 $0x2  }
.LBB2_1:
0x10: {  	[tilespmem:s3], [sflag:$0x2] =	stream.linear.gather [hbm4b:s5+s3], $0x3E80, $0x38;
	[tilespmem:$0x4300] =	vst v63  }
0x11: {  	_ =	swait.ge [sflag:s8], $0x3E80  }
0x12: {  	[sflag:s8] =	ssyncset.done $0x0  }
0x13: {  	[sflag:s8] =	ssyncadd.s32 $0xFFFFC180  }
0x14: {  	[spmem:s10], [sflag:s9] =	dma.local [hbm:s4], $0x50  }
0x15: {  	_ =	swait.ge [sflag:s8], $0x50  }
0x16: {  	[sflag:s8] =	ssyncset.done $0x0  }
0x17: {  	[sflag:s8] =	ssyncadd.s32 $0xFFFFFFB0  }
0x18: {  	[tilespmem:$0x4000] =	vst v0  }
0x19: {  	[tilespmem:$0x4010] =	vst v0  }
0x1a: {  	[tilespmem:$0x4020] =	vst v0  }
0x1b: {  	[tilespmem:$0x4030] =	vst v0  }
0x1c: {  	[tilespmem:$0x4040] =	vst v0  }
0x1d: {  	[bflag:$0x0] =	sbarrier.arrive $0xFFFF  }
0x1e: {  	[spmem:s2] =	stream.indirect.scatter.add.f32 [tilespmem:s12], [sflag:$0x1], $0x1, s3, s11, $0xb8;
	[tilespmem:$0x4300] =	vst v63  }
0x1f: {  	s17 =	simm.s32 $0x80  }
0x20: {  	[spmem:s2] =	stream.indirect.scatter.add.f32 [tilespmem:s12], [sflag:$0x1], $0x1, s17, s11, $0xb8;
	[tilespmem:$0x4300] =	vst v63  }
0x21: {  	_ =	swait.ge [sflag:s13], $0x50  }
0x22: {  	s17 =	simm.s32 $0x400;
	[sflag:s13] =	ssyncset.done $0x0  }
.LBB2_2:
0x23: {  	s18 =	sshra.s32 s17, $0x2;
	[sflag:s13] =	ssyncadd.s32 $0xFFFFFFB0;
	p0 =	sne.s32 s17, $0xF800  }
0x24: {  	[spmem:s2] =	stream.indirect.scatter.add.f32 [tilespmem:s12], [sflag:$0x1], $0x1, s18, s11, $0xb8;
	[tilespmem:$0x4300] =	vst v63  }
.Ltmp0:
0x25: {  	_ = 	snop;
	(pc) =	sbr.rel @p0 .LBB2_2-.Ltmp0, $4  }
0x26: {  	_ = 	snop  }
0x27: {  	s17 =	sadd.s32 $0x200, s17  }
0x28: {  	_ =	swait.ge [sflag:s13], $0x50  }
0x29: {  	[sflag:s13] =	ssyncset.done $0x0  }
0x2a: {  	[sflag:s13] =	ssyncadd.s32 $0xFFFFFFB0  }
0x2b: {  	_ =	swait.ge [sflag:s13], $0x50  }
0x2c: {  	s16 =	sadd.s32 $0x1, s16;
	[sflag:s13] =	ssyncset.done $0x0  }
0x2d: {  	p0 =	sne.s32 s16, s7;
	[sflag:s13] =	ssyncadd.s32 $0xFFFFFFB0  }
.Ltmp1:
0x2e: {  	[bflag:$0x0] =	sbarrier.arrive $0xFFFF;
	(pc) =	sbr.rel @p0 .LBB2_1-.Ltmp1, $4  }
0x2f: {  	[hbm:s6@s14], [sflag:s9] =	dma.strided [spmem:s10@s15], $0x50, s13, $0x10   }
0x30: {  	_ =	swait.ge [sflag:s8], $0x50  }
0x31: {  	[sflag:s8] =	ssyncset.done $0x0  }
0x32: {  	[sflag:s8] =	ssyncadd.s32 $0xFFFFFFB0  }
0x33: {  	_ =	sfence.sel $0x180000  }
0x34: {  	[bflag:$0x0] =	sbarrier.arrive $0xFFFF  }
0x35: {  	p0 =	sne.s32 s1, $0x0;
	_ =	strace $0x90000047  }
0x36: {  	s0 =	sadd.s32 @!p0 $0x100000, s0;
	[bflag:$0x2] =	sbarrier.arrive $0xFFFF  }
0x37: {  	[sflag:s0] =	ssyncadd.tile.s32 @!p0 $0x1;
	_ =	shalt  }
.Lfunc_end2:
_tile_overlayer_lowered:
.L_overlay_start_2:
0x38: {  	(tag) =	ssettag $0x2  }
0x39: {  	s0 =	rddreg [dreg:$0x0];
	s2 =	stileid.u32  }
0x3a: {  	s1 =	rddreg [dreg:$0x1];
	p0 =	sne.s32 s2, $0x0  }
0x3b: {  	s3 =	rddreg [dreg:$0x2];
	[bflag:$0x3] =	sbarrier.arrive $0xFFFF;
	s2 =	simm.s32 @!p0 $0x1C02  }
0x3c: {  	[timem:s3], [sflag:s2] =	dma.local @!p0 [hbm:s0], s1  }
0x3d: {  	s0 =	simm.s32 @!p0 $0x2  }
0x3e: {  	_ =	swait.ge @!p0 [sflag:s0], s1  }
0x3f: {  	s1 =	ssub.s32 @!p0 $0x0, s1;
	[sflag:s0] =	ssyncset.done @!p0 $0x0  }
0x40: {  	[sflag:s0] =	ssyncadd.s32 @!p0 s1  }
0x41: {  	[bflag:$0x3] =	sbarrier.arrive $0xFFFF  }
0x42: {  	_ =	shalt  }

// kernel: kernel.9.cloned.1.call-start
scs
__scs_entry_jumppad:
0x0: {  	(pc) =	sbr.rel $0x88, $3  }
0x1: {  	(tag) =	ssettag $0x0;
	lr =	simm.s32 $0x1  }
0x2: {  	[smem:$0x3F9F] =	sst lr;
	_ =	strace $0xD0000000  }
0x3: {  	_ = 	snop  }
0x4: {  	_ = 	snop  }
0x5: {  	_ = 	snop  }
0x6: {  	_ = 	snop  }
0x7: {  	_ = 	snop  }
__scs_overlays_trampoline_lowered:
0x8: {  	[smem:$0x3FAE] =	sst s0  }
0x9: {  	[smem:$0x3FAF] =	sst s1  }
0xa: {  	[smem:$0x3FB0] =	sst s2  }
0xb: {  	[smem:$0x3FB1] =	sst s3  }
0xc: {  	[smem:$0x3FB2] =	sst s4  }
0xd: {  	[smem:$0x3FB3] =	sst s5  }
0xe: {  	[smem:$0x3FB4] =	sst s6  }
0xf: {  	[smem:$0x3FB5] =	sst s7  }
0x10: {  	[smem:$0x3FB6] =	sst s8  }
0x11: {  	[smem:$0x3FB7] =	sst s9;
	s0 =	simm.s32 @!p0 $0x0  }
0x12: {  	s1 =	sld [smem:$0x3F9D];
	s0 =	simm.s32 @p0 $0x1  }
0x13: {  	[smem:$0x3FB8] =	sst s0;
	s0 =	simm.s32 @!p1 $0x0  }
0x14: {  	s2 =	sld [smem:$0x3F9C];
	s0 =	simm.s32 @p1 $0x1  }
0x15: {  	[smem:$0x3FB9] =	sst s0;
	s0 =	simm.s32 @!p2 $0x0  }
0x16: {  	s3 =	sld [smem:$0x3FDB];
	s0 =	simm.s32 @p2 $0x1  }
0x17: {  	s4 =	simm.s32 $0x1BF5;
	[smem:$0x3FBB] =	sst s0  }
0x18: {  	s0 =	sld [smem:$0x3F9E];
	_ =	swait.ge [sflag:s4], $0x0  }
0x19: {  	s7 =	sld [smem:$0x3F9F]  }
0x1a: {  	s8 =	sadd.s32 $0xFFFFE003, lr  }
0x1b: {  	s9 =	sadd.s32 $0xFFFFFEF7, lr;
	s5 =	simm.s32 $0xFFFFFFFF;
	p2 =	slt.u32 s8, $0xFFFFF086  }
0x1c: {  	p1 =	slt.u32 s9, $0xF7A;
	s5 =	simm.s32 @!p2 $0x0  }
0x1d: {  	s5 =	simm.s32 @p1 $0x1;
	p0 =	seq.s32 s7, s2  }
0x1e: {  	s7 =	smul.u32 @!p0 $0xF7A, s2;
	p2 =	seq.s32 @!p0 s5, $0x0  }
0x1f: {  	s9 =	smul.u32 $0xF7A, s1;
	s8 =	simm.s32 @!p0 $0x1BF5;
	p2 =	por !p2, p0  }
0x20: {  	[sflag:s8] =	ssyncset.s32 @!p0 $0xFFFFF086;
	s6 =	sadd.s32 @!p0 s3, s7;
	s7 =	simm.s32 @!p0 $0x108  }
0x21: {  	s3 =	sadd.s32 s3, s9;
	s6 =	sadd.s32 @!p0 $0x88, s6;
	s7 =	simm.s32 @p2 $0x1082  }
0x22: {  	[simem:s7], [sflag:s8] =	dma.local @!p0 [hbm:s6], $0xF7A  }
0x23: {  	s9 =	sor.u32 $0xD0000000, s2;
	s6 =	simm.s32 $0x108;
	_ =	swait.ge @!p0 [sflag:s8], $0x0  }
0x24: {  	s3 =	sadd.s32 $0x88, s3;
	s6 =	simm.s32 @!p1 $0x1082;
	[sflag:s4] =	ssyncset.s32 $0xFFFFF086  }
0x25: {  	[simem:s6], [sflag:s4] =	dma.local [hbm:s3], $0xF7A  }
0x26: {  	[smem:$0x3F9F] =	sst s1;
	(tag) =	ssettag s2;
	_ =	strace s9  }
0x27: {  	s1 =	sld [smem:$0x3FAF]  }
0x28: {  	s2 =	sld [smem:$0x3FB0]  }
0x29: {  	s4 =	sld [smem:$0x3FB2]  }
0x2a: {  	p0 =	seq.s32 s5, $0x0;
	s5 =	sld [smem:$0x3FB3]  }
0x2b: {  	s6 =	sld [smem:$0x3FB4]  }
0x2c: {  	s7 =	sld [smem:$0x3FB5]  }
0x2d: {  	s3 =	simm.s32 $0x108;
	s8 =	sld [smem:$0x3FB6]  }
0x2e: {  	s3 =	simm.s32 @!p0 $0x1082;
	s9 =	sld [smem:$0x3FB7]  }
0x2f: {  	lr =	sadd.s32 s0, s3;
	s0 =	sld [smem:$0x3FAE]  }
0x30: {  	s3 =	sld [smem:$0x3FB1]  }
0x31: {  	[smem:$0x3FBA] =	sst s10  }
0x32: {  	s10 =	sld [smem:$0x3FB8];
	_ =	sdelay $0x3  }
0x33: {  	p0 =	seq.s32 s10, $0x1;
	s10 =	sld [smem:$0x3FBA];
	_ =	sdelay $0x3  }
0x34: {  	[smem:$0x3FBA] =	sst s10  }
0x35: {  	s10 =	sld [smem:$0x3FB9];
	_ =	sdelay $0x3  }
0x36: {  	p1 =	seq.s32 s10, $0x1;
	s10 =	sld [smem:$0x3FBA];
	_ =	sdelay $0x3  }
0x37: {  	[smem:$0x3FBA] =	sst s10  }
0x38: {  	s10 =	sld [smem:$0x3FBB]  }
0x39: {  	_ = 	snop;
	(pc) =	sbr.ind lr, $3  }
0x3a: {  	_ = 	snop  }
0x3b: {  	_ = 	snop  }
0x3c: {  	p2 =	seq.s32 s10, $0x1;
	s10 =	sld [smem:$0x3FBA]  }
0x3d: {  	_ =	shalt  }
0x3e: {  	_ =	shalt  }
0x3f: {  	_ =	shalt  }
0x40: {  	_ =	shalt  }
0x41: {  	_ =	shalt  }
0x42: {  	_ =	shalt  }
0x43: {  	_ =	shalt  }
0x44: {  	_ =	shalt  }
0x45: {  	_ =	shalt  }
0x46: {  	_ =	shalt  }
0x47: {  	_ =	shalt  }
0x48: {  	_ =	shalt  }
0x49: {  	_ =	shalt  }
0x4a: {  	_ =	shalt  }
0x4b: {  	_ =	shalt  }
0x4c: {  	_ =	shalt  }
0x4d: {  	_ =	shalt  }
0x4e: {  	_ =	shalt  }
0x4f: {  	_ =	shalt  }
0x50: {  	_ =	shalt  }
0x51: {  	_ =	shalt  }
0x52: {  	_ =	shalt  }
0x53: {  	_ =	shalt  }
0x54: {  	_ =	shalt  }
0x55: {  	_ =	shalt  }
0x56: {  	_ =	shalt  }
0x57: {  	_ =	shalt  }
0x58: {  	_ =	shalt  }
0x59: {  	_ =	shalt  }
0x5a: {  	_ =	shalt  }
0x5b: {  	_ =	shalt  }
0x5c: {  	_ =	shalt  }
0x5d: {  	_ =	shalt  }
0x5e: {  	_ =	shalt  }
0x5f: {  	_ =	shalt  }
0x60: {  	_ =	shalt  }
0x61: {  	_ =	shalt  }
0x62: {  	_ =	shalt  }
0x63: {  	_ =	shalt  }
0x64: {  	_ =	shalt  }
0x65: {  	_ =	shalt  }
0x66: {  	_ =	shalt  }
0x67: {  	_ =	shalt  }
0x68: {  	_ =	shalt  }
0x69: {  	_ =	shalt  }
0x6a: {  	_ =	shalt  }
0x6b: {  	_ =	shalt  }
0x6c: {  	_ =	shalt  }
0x6d: {  	_ =	shalt  }
0x6e: {  	_ =	shalt  }
0x6f: {  	_ =	shalt  }
0x70: {  	_ =	shalt  }
0x71: {  	_ =	shalt  }
0x72: {  	_ =	shalt  }
0x73: {  	_ =	shalt  }
0x74: {  	_ =	shalt  }
0x75: {  	_ =	shalt  }
0x76: {  	_ =	shalt  }
0x77: {  	_ =	shalt  }
0x78: {  	_ =	shalt  }
0x79: {  	_ =	shalt  }
0x7a: {  	_ =	shalt  }
0x7b: {  	_ =	shalt  }
0x7c: {  	_ =	shalt  }
0x7d: {  	_ =	shalt  }
0x7e: {  	_ =	shalt  }
0x7f: {  	_ =	shalt  }
0x80: {  	_ =	shalt  }
0x81: {  	_ =	shalt  }
0x82: {  	_ =	shalt  }
0x83: {  	_ =	shalt  }
0x84: {  	_ =	shalt  }
0x85: {  	_ =	shalt  }
0x86: {  	_ =	shalt  }
0x87: {  	_ =	shalt  }
.Lfunc_end0:
.L_simem_size_0:
called_computation.1_lowered:
.L_overlay_start_0:
0x88: {  	s2 =	sld [smem:$0x3FD9]  }
0x89: {  	s3 =	sld [smem:$0x3FFE];
	_ =	sdelay $0x1  }
0x8a: {  	s1 =	srdreg.scid  }
0x8b: {  	s0 =	sand.u32 $0x1, s1  }
0x8c: {  	s17 =	sshll.u32 s0, $0xA;
	s2 =	sadd.s32 s3, s2  }
0x8d: {  	s2 =	sadd.s32 s2, s17  }
0x8e: {  	[smem:$0x3FC6] =	sst s2  }
0x8f: {  	_ = 	snop  }
0x90: {  	s2 =	sld [smem:$0x3FD0];
	(tm) =	ssettm $0x1  }
0x91: {  	s18 =	sld [smem:$0x3FFB];
	_ =	sdelay $0x3  }
0x92: {  	_ =	strace s18  }
0x93: {  	s3 =	sld [smem:$0x3FFC];
	_ =	sdelay $0x3  }
0x94: {  	_ =	strace s3  }
0x95: {  	s3 =	sld [smem:$0x3FFD];
	_ =	sdelay $0x3  }
0x96: {  	_ =	strace s3  }
0x97: {  	_ =	strace $0x8FFFFFFF  }
0x98: {  	s19 =	sld [smem:$0x3FDB];
	_ =	sdelay $0x1  }
0x99: {  	s4 =	simm.s32 $_scs_section_size  }
0x9a: {  	s5 =	simm.s32 $_size__tile_overlayer_lowered;
	s6 =	simm.s32 $_tile_overlayer_lowered  }
0x9b: {  	s22 =	simm.s32 $0x1BFF;
	s21 =	sshll.u32 s6, $0x1;
	s3 =	sadd.s32 s4, s19  }
0x9c: {  	s7 =	simm.s32 $0x0;
	s20 =	sshll.u32 s5, $0x1;
	s5 =	sadd.s32 s21, s3  }
0x9d: {  	[timem:s7], [sflag:s22] =	dma.local [hbm:s5], s20  }
0x9e: {  	_ =	swait.ge [sflag:s22], s20  }
0x9f: {  	s4 =	ssub.s32 $0x0, s20;
	[sflag:s22] =	ssyncset.done $0x0  }
0xa0: {  	[sflag:s22] =	ssyncadd.s32 s4;
	_ =	sdelay $0x1  }
0xa1: {  	s23 =	simm.s32 $0x1B8B  }
0xa2: {  	_ =	swait.ge [sflag:s23], $0x1  }
0xa3: {  	[sflag:s23] =	ssyncset.done $0x0  }
0xa4: {  	s25 =	simm.s32 $0x1B8E;
	s24 =	sld [smem:$0x3FFE];
	[sflag:s23] =	ssyncadd.s32 $0xFFFFFFFF  }
0xa5: {  	s26 =	simm.s32 $execute0_lowered;
	[smem:$0x3FD2] =	sst s25  }
0xa6: {  	s5 =	sshll.u32 s26, $0x1;
	_ =	strace $0x80000049;
	[dreg:$0x1] =	wrdreg $0xFFFFFFFF  }
0xa7: {  	s28 =	simm.s32 $_size_execute0_lowered;
	s3 =	sadd.s32 s3, s5;
	[dreg:$0x0] =	wrdreg $0x0  }
0xa8: {  	s5 =	sshll.u32 s28, $0x1;
	[dreg:$0x2] =	wrdreg s3  }
0xa9: {  	[dreg:$0x3] =	wrdreg s5  }
0xaa: {  	[dreg:$0x4] =	wrdreg $0xC0  }
0xab: {  	_ =	task [dreg:s7], $0x5FFFF  }
0xac: {  	[dreg:$0x1] =	wrdreg $0xFFFFFFFF  }
0xad: {  	[dreg:$0x0] =	wrdreg $0x60  }
0xae: {  	[dreg:$0x2] =	wrdreg s2  }
0xaf: {  	[dreg:$0x3] =	wrdreg s24  }
0xb0: {  	[dreg:$0x4] =	wrdreg $0x7C800  }
0xb1: {  	[dreg:$0x5] =	wrdreg $0x9  }
0xb2: {  	_ =	task.clear_ibuf [dreg:s7], $0x6FFFF;
	_ =	strace $0x90000049  }
0xb3: {  	s29 =	simm.s32 $0x9;
	_ =	strace $0x8000004B  }
0xb4: {  	_ =	swait.ge [sflag:s29], $0x1  }
0xb5: {  	[sflag:s29] =	ssyncadd.s32 $0xFFFFFFFF  }
0xb6: {  	_ =	strace $0x9000004B  }
0xb7: {  	_ =	sfence  }
0xb8: {  	s30 =	sld [smem:$0x0];
	_ =	sdelay $0x2  }
0xb9: {  	s31 =	sshll.u32 s1, $0xD;
	s1 =	sshrl.u32 s1, $0x2  }
0xba: {  	s3 =	sand.u32 $0x4000, s31;
	s1 =	sadd.s32 s1, s30  }
0xbb: {  	s0 =	sor.u32 s3, s0;
	s1 =	sshll.u32 s1, $0x11  }
0xbc: {  	s0 =	sor.u32 s1, s0  }
0xbd: {  	s0 =	sadd.s32 $0x8F2B, s0  }
0xbe: {  	[sflag:s0] =	ssyncadd.remote.s32 $0x1  }
0xbf: {  	_ =	sfence.sel $0xFFFF  }
0xc0: {  	[dreg:$0x0] =	wrdreg $0xFFFFFFFF;
	(pc) =	sbr.abs _section_cstart, $3  }
0xc1: {  	[dreg:$0x1] =	wrdreg $0xFFFFFFFF  }
0xc2: {  	_ =	task.clear_ibuf [dreg:s7], $0x2FFFF;
	_ =	strace $0x9FFFFFFF  }
0xc3: {  	(tm) =	ssettm $0x7FFFFFFF  }
tec
execute0_lowered:
.L_overlay_start_1:
0x0: {  	(tag) =	ssettag $0x1  }
0x1: {  	s1 =	rddreg [dreg:$0x0]  }
0x2: {  	s0 =	rddreg [dreg:$0x1]  }
0x3: {  	s2 =	rddreg [dreg:$0x2]  }
0x4: {  	s4 =	simm.s32 $0x0;
	s3 =	srdreg.scid;
	s10 =	stileid.u32  }
0x5: {  	s28 =	simm.s32 $0x5;
	s29 =	simm.s32 $0x180;
	s30 =	simm.s32 $0x2C80  }
0x6: {  	s31 =	simm.s32 $0x1;
	s11 =	simm.s32 $0x5480;
	s7 =	smul.u32 $0x14000, s10  }
0x7: {  	s12 =	simm.s32 $0x2;
	s14 =	simm.s32 $0x8;
	s17 =	smul.u32 $0x50000, s10  }
0x8: {  	[smem:$0x7FF] =	sst s4;
	s3 =	sand.u32 $0x1, s3;
	s19 =	smul.u32 $0x7D00, s10  }
0x9: {  	s5 =	sadd.s32 $0x1400, s0;
	s8 =	sadd.s32 $0x29400, s0;
	s6 =	smul.u32 $0x140000, s3  }
0xa: {  	_ =	strace $0x8000004A;
	[dreg:$0x4] =	wrdreg s8;
	s15 =	sshll.u32 s3, $0x4  }
0xb: {  	s9 =	ssub.s32 $0x2, s3;
	s3 =	smul.u32 $0x7D000, s3;
	s16 =	sor.u32 s10, s15  }
0xc: {  	s18 =	sshrl.u32 s9, $0x1;
	s8 =	sshrl.u32 s17, $0x2;
	s10 =	sshll.u32 s10, $0x6  }
0xd: {  	s6 =	sadd.s32 s7, s6;
	s7 =	smul.u32 $0x7D00, s16;
	s8 =	sadd.s32 s8, s2  }
0xe: {  	s17 =	sor.u32 $0x1C0B, s10;
	s3 =	sadd.s32 s19, s3;
	s19 =	simm.s32 $0x300  }
0xf: {  	s10 =	simm.s32 $0x280;
	s6 =	sshrl.u32 s6, $0x3;
	s21 =	sadd.s32 $0x400, s3  }
0x10: {  	s24 =	sadd.s32 $0x500, s3;
	s25 =	sadd.s32 $0x200, s3;
	s3 =	sadd.s32 $0x300, s3  }
0x11: {  	[dreg:$0x5] =	wrdreg s17;
	s0 =	sadd.s32 s6, s0;
	s6 =	ssub.s32 s9, s18  }
0x12: {  	s7 =	sshrl.u32 s7, $0x3;
	s23 =	sshrl.u32 s21, $0x3;
	[dreg:$0xb] =	wrdreg s3  }
0x13: {  	s26 =	sshrl.u32 s25, $0x3;
	s18 =	sshrl.u32 s8, $0x3;
	s21 =	simm.s32 $0x380  }
0x14: {  	s25 =	simm.s32 $0x80;
	s3 =	simm.s32 $0x400;
	s9 =	simm.s32 $0x3  }
0x15: {  	s8 =	simm.s32 $0x9;
	s7 =	sadd.s32 s1, s7;
	s0 =	sadd.s32 $0x2BC00, s0  }
0x16: {  	s22 =	smax.u32 s6, $0x1;
	s13 =	sadd.s32 s23, s1;
	[dreg:$0xc] =	wrdreg s18  }
0x17: {  	s16 =	sadd.s32 s26, s1;
	s23 =	simm.s32 $0x4;
	[dreg:$0x6] =	wrdreg s7  }
0x18: {  	s26 =	simm.s32 $0x480;
	s6 =	simm.s32 $0x6;
	[dreg:$0x9] =	wrdreg s0  }
.Ltmp0:
0x19: {  	s20 =	sadd.s32 $0x20, s7;
	[dreg:$0xa] =	wrdreg s22;
	(pc) =	sbr.rel .LBB2_1-.Ltmp0, $4  }
0x1a: {  	s7 =	sadd.s32 $0x40, s7;
	s0 =	sshrl.u32 s24, $0x3;
	[dreg:$0x7] =	wrdreg s20  }
0x1b: {  	s22 =	simm.s32 $0xB;
	s24 =	simm.s32 $0x50;
	[dreg:$0x8] =	wrdreg s7  }
0x1c: {  	s15 =	sadd.s32 s0, s1;
	s20 =	simm.s32 $0x100;
	s1 =	simm.s32 $0x0  }
0x1d: {  	s0 =	simm.s32 $0x7;
	s7 =	simm.s32 $0xA;
	[dreg:$0xd] =	wrdreg s1  }
.LBB2_4:
0x1e: {  	_ =	swait.ge [sflag:s31], $0x2800  }
0x1f: {  	[sflag:s31] =	ssyncset.done $0x0  }
0x20: {  	[sflag:s31] =	ssyncadd.s32 $0xFFFFD800  }
0x21: {  	_ =	swait.ge [sflag:s0], $0x80  }
0x22: {  	[sflag:s0] =	ssyncset.done $0x0  }
0x23: {  	[sflag:s0] =	ssyncadd.s32 $0xFFFFFF80  }
0x24: {  	[spmem:s2] =	stream.indirect.scatter.add.f32 [tilespmem:s26], [sflag:$0xA], $0x80, s19, s24, $0xb8;
	[tilespmem:$0x1BC80] =	vst v63  }
0x25: {  	_ =	swait.ge [sflag:s7], $0x2800  }
0x26: {  	[sflag:s7] =	ssyncset.done $0x0  }
0x27: {  	[sflag:s7] =	ssyncadd.s32 $0xFFFFD800  }
0x28: {  	_ =	swait.ge [sflag:s12], $0x2800  }
0x29: {  	[sflag:s12] =	ssyncset.done $0x0  }
0x2a: {  	[sflag:s12] =	ssyncadd.s32 $0xFFFFD800  }
0x2b: {  	_ =	swait.ge [sflag:s14], $0x80  }
0x2c: {  	[sflag:s14] =	ssyncset.done $0x0  }
0x2d: {  	[sflag:s14] =	ssyncadd.s32 $0xFFFFFF80  }
0x2e: {  	[spmem:s2] =	stream.indirect.scatter.add.f32 [tilespmem:s30], [sflag:$0xA], $0x80, s21, s24, $0xb8;
	[tilespmem:$0x1BC80] =	vst v63  }
0x2f: {  	_ =	swait.ge [sflag:s7], $0x2800  }
0x30: {  	[sflag:s7] =	ssyncset.done $0x0  }
0x31: {  	[sflag:s7] =	ssyncadd.s32 $0xFFFFD800  }
0x32: {  	_ =	swait.ge [sflag:s7], $0x2800  }
0x33: {  	[sflag:s7] =	ssyncset.done $0x0  }
0x34: {  	[sflag:s7] =	ssyncadd.s32 $0xFFFFD800  }
0x35: {  	[bflag:$0x0] =	sbarrier.arrive $0xFFFF  }
0x36: {  	s20 =	rddreg [dreg:$0x5]  }
0x37: {  	s1 =	rddreg [dreg:$0x9]  }
0x38: {  	s22 =	simm.s32 $0xB;
	s18 =	rddreg [dreg:$0xc]  }
0x39: {  	[hbm:s1], [sflag:s20] =	dma.local [spmem:s18], $0x2800  }
0x3a: {  	_ =	swait.ge [sflag:s22], $0x2800  }
0x3b: {  	s17 =	rddreg [dreg:$0xd]  }
0x3c: {  	s1 =	rddreg [dreg:$0xa];
	s17 =	sadd.s32 $0x1, s17  }
0x3d: {  	p0 =	sne.s32 s17, s1  }
.Ltmp1:
0x3e: {  	_ = 	snop;
	(pc) =	sbr.rel @!p0 .LBB2_5-.Ltmp1, $4  }
0x3f: {  	_ = 	snop  }
0x40: {  	[sflag:s22] =	ssyncset.done $0x0  }
0x41: {  	[sflag:s22] =	ssyncadd.s32 $0xFFFFD800  }
0x42: {  	[dreg:$0xd] =	wrdreg s17;
	s17 =	smov.u32 s20;
	s20 =	simm.s32 $0x100  }
.LBB2_1:
0x43: {  	s1 =	rddreg [dreg:$0x4]  }
0x44: {  	[spmem:s18], [sflag:s17] =	dma.local [hbm:s1], $0x2800  }
0x45: {  	_ =	swait.ge [sflag:s22], $0x2800  }
0x46: {  	[sflag:s22] =	ssyncset.done $0x0  }
0x47: {  	[sflag:s22] =	ssyncadd.s32 $0xFFFFD800  }
0x48: {  	[bflag:$0x0] =	sbarrier.arrive $0xFFFF  }
0x49: {  	s22 =	rddreg [dreg:$0x6]  }
0x4a: {  	[tilespmem:s4], [sflag:$0x4] =	stream.linear.gather [hbm4b:s22+s4], $0x100, $0x38;
	[tilespmem:$0x1BC80] =	vst v63  }
0x4b: {  	_ = 	snop  }
0x4c: {  	[tilespmem:s19], [sflag:$0x7] =	stream.linear.gather [hbm4b:s22+s4], $0x80, $0x38;
	[tilespmem:$0x1BC80] =	vst v63  }
0x4d: {  	s17 =	rddreg [dreg:$0x7]  }
0x4e: {  	[tilespmem:s20], [sflag:$0x5] =	stream.linear.gather [hbm4b:s17+s4], $0x100, $0x38;
	[tilespmem:$0x1BC80] =	vst v63  }
0x4f: {  	_ = 	snop  }
0x50: {  	[tilespmem:s21], [sflag:$0x8] =	stream.linear.gather [hbm4b:s17+s4], $0x80, $0x38;
	[tilespmem:$0x1BC80] =	vst v63  }
0x51: {  	s18 =	rddreg [dreg:$0x8];
	s22 =	simm.s32 $0x200  }
0x52: {  	[tilespmem:s22], [sflag:$0x6] =	stream.linear.gather [hbm4b:s18+s4], $0x100, $0x38;
	[tilespmem:$0x1BC80] =	vst v63  }
0x53: {  	_ =	swait.ge [sflag:s23], $0x100  }
0x54: {  	[sflag:s23] =	ssyncset.done $0x0  }
0x55: {  	[sflag:s23] =	ssyncadd.s32 $0xFFFFFF00  }
0x56: {  	[tilespmem:s26], [sflag:$0x1] =	stream.indirect.gather [hbm4b:s5+s24], $0x80, s25, s24, $0xb8;
	[tilespmem:$0x1BC80] =	vst v63  }
0x57: {  	_ =	swait.ge [sflag:s28], $0x100  }
0x58: {  	[sflag:s28] =	ssyncset.done $0x0  }
0x59: {  	s17 =	simm.s32 $0x0;
	s18 =	rddreg [dreg:$0xb];
	[sflag:s28] =	ssyncadd.s32 $0xFFFFFF00  }
0x5a: {  	[tilespmem:s30], [sflag:$0x2] =	stream.indirect.gather [hbm4b:s5+s24], $0x80, s29, s24, $0xb8;
	[tilespmem:$0x1BC80] =	vst v63  }
.LBB2_2:
0x5b: {  	_ =	swait.ge [sflag:s31], $0x2800  }
0x5c: {  	[sflag:s31] =	ssyncset.done $0x0  }
0x5d: {  	[sflag:s31] =	ssyncadd.s32 $0xFFFFD800  }
0x5e: {  	_ =	swait.ge [sflag:s0], $0x80  }
0x5f: {  	p0 =	seq.s32 s17, $0x0;
	[sflag:s0] =	ssyncset.done $0x0  }
0x60: {  	s1 =	simm.s32 @!p0 $0xA;
	[sflag:s0] =	ssyncadd.s32 $0xFFFFFF80  }
0x61: {  	[spmem:s2] =	stream.indirect.scatter.add.f32 [tilespmem:s26], [sflag:$0xA], $0x80, s19, s24, $0xb8;
	[tilespmem:$0x1BC80] =	vst v63  }
0x62: {  	_ =	swait.ge @!p0 [sflag:s1], $0x2800  }
0x63: {  	[sflag:s1] =	ssyncset.done @!p0 $0x0  }
0x64: {  	s22 =	sadd.s32 s17, s16;
	[sflag:s1] =	ssyncadd.s32 @!p0 $0xFFFFD800  }
0x65: {  	[tilespmem:s3], [sflag:$0x9] =	stream.linear.gather [hbm4b:s22+s4], $0x80, $0x38;
	[tilespmem:$0x1BC80] =	vst v63  }
0x66: {  	_ =	swait.ge [sflag:s6], $0x100  }
0x67: {  	[sflag:s6] =	ssyncset.done $0x0  }
0x68: {  	[sflag:s6] =	ssyncadd.s32 $0xFFFFFF00  }
0x69: {  	[tilespmem:s11], [sflag:$0x3] =	stream.indirect.gather [hbm4b:s5+s24], $0x80, s10, s24, $0xb8;
	[tilespmem:$0x1BC80] =	vst v63  }
0x6a: {  	s1 =	sshrl.u32 s18, $0x3;
	s22 =	rddreg [dreg:$0x0]  }
0x6b: {  	s1 =	sadd.s32 s22, s1  }
0x6c: {  	[tilespmem:s4], [sflag:$0x4] =	stream.linear.gather [hbm4b:s1+s4], $0x100, $0x38;
	[tilespmem:$0x1BC80] =	vst v63  }
0x6d: {  	_ =	swait.ge [sflag:s12], $0x2800  }
0x6e: {  	[sflag:s12] =	ssyncset.done $0x0  }
0x6f: {  	[sflag:s12] =	ssyncadd.s32 $0xFFFFD800  }
0x70: {  	_ =	swait.ge [sflag:s14], $0x80  }
0x71: {  	[sflag:s14] =	ssyncset.done $0x0  }
0x72: {  	[sflag:s14] =	ssyncadd.s32 $0xFFFFFF80  }
0x73: {  	[spmem:s2] =	stream.indirect.scatter.add.f32 [tilespmem:s30], [sflag:$0xA], $0x80, s21, s24, $0xb8;
	[tilespmem:$0x1BC80] =	vst v63  }
0x74: {  	_ =	swait.ge [sflag:s7], $0x2800  }
0x75: {  	[sflag:s7] =	ssyncset.done $0x0  }
0x76: {  	[sflag:s7] =	ssyncadd.s32 $0xFFFFD800  }
0x77: {  	[tilespmem:s19], [sflag:$0x7] =	stream.linear.gather [hbm4b:s1+s4], $0x80, $0x38;
	[tilespmem:$0x1BC80] =	vst v63  }
0x78: {  	_ =	swait.ge [sflag:s23], $0x100  }
0x79: {  	[sflag:s23] =	ssyncset.done $0x0  }
0x7a: {  	[sflag:s23] =	ssyncadd.s32 $0xFFFFFF00  }
0x7b: {  	[tilespmem:s26], [sflag:$0x1] =	stream.indirect.gather [hbm4b:s5+s24], $0x80, s25, s24, $0xb8;
	[tilespmem:$0x1BC80] =	vst v63  }
0x7c: {  	s22 =	sadd.s32 s17, s13  }
0x7d: {  	[tilespmem:s20], [sflag:$0x5] =	stream.linear.gather [hbm4b:s22+s4], $0x100, $0x38;
	[tilespmem:$0x1BC80] =	vst v63  }
0x7e: {  	_ =	swait.ge [sflag:s9], $0x2800  }
0x7f: {  	[sflag:s9] =	ssyncset.done $0x0  }
0x80: {  	[sflag:s9] =	ssyncadd.s32 $0xFFFFD800  }
0x81: {  	_ =	swait.ge [sflag:s8], $0x80  }
0x82: {  	[sflag:s8] =	ssyncset.done $0x0  }
0x83: {  	[sflag:s8] =	ssyncadd.s32 $0xFFFFFF80  }
0x84: {  	[spmem:s2] =	stream.indirect.scatter.add.f32 [tilespmem:s11], [sflag:$0xA], $0x80, s3, s24, $0xb8;
	[tilespmem:$0x1BC80] =	vst v63  }
0x85: {  	_ =	swait.ge [sflag:s7], $0x2800  }
0x86: {  	[sflag:s7] =	ssyncset.done $0x0  }
0x87: {  	p0 =	seq.s32 s17, $0xF00;
	[sflag:s7] =	ssyncadd.s32 $0xFFFFD800  }
0x88: {  	[tilespmem:s21], [sflag:$0x8] =	stream.linear.gather [hbm4b:s22+s4], $0x80, $0x38;
	[tilespmem:$0x1BC80] =	vst v63  }
.Ltmp2:
0x89: {  	_ = 	snop;
	(pc) =	sbr.rel @p0 .LBB2_4-.Ltmp2, $4  }
0x8a: {  	_ =	swait.ge [sflag:s28], $0x100  }
0x8b: {  	[sflag:s28] =	ssyncset.done $0x0  }
0x8c: {  	[sflag:s28] =	ssyncadd.s32 $0xFFFFFF00  }
0x8d: {  	[tilespmem:s30], [sflag:$0x2] =	stream.indirect.gather [hbm4b:s5+s24], $0x80, s29, s24, $0xb8;
	[tilespmem:$0x1BC80] =	vst v63  }
.Ltmp3:
0x8e: {  	(pc) =	sbr.rel .LBB2_2-.Ltmp3, $4  }
0x8f: {  	_ = 	snop  }
0x90: {  	s1 =	sadd.s32 s17, s15  }
0x91: {  	s22 =	simm.s32 $0x200;
	s17 =	sadd.s32 $0x60, s17;
	s18 =	sadd.s32 $0x300, s18  }
0x92: {  	[tilespmem:s22], [sflag:$0x6] =	stream.linear.gather [hbm4b:s1+s4], $0x100, $0x38;
	[tilespmem:$0x1BC80] =	vst v63  }
.LBB2_5:
0x93: {  	_ =	sfence.sel $0x180000  }
0x94: {  	[bflag:$0x0] =	sbarrier.arrive $0xFFFF  }
0x95: {  	_ =	strace $0x9000004A  }
0x96: {  	s0 =	stileid.u32;
	[bflag:$0x2] =	sbarrier.arrive $0xFFFF  }
0x97: {  	p0 =	sne.s32 s0, $0x0;
	s0 =	rddreg [dreg:$0x3]  }
0x98: {  	s0 =	sadd.s32 @!p0 $0x100000, s0  }
0x99: {  	[sflag:s0] =	ssyncadd.tile.s32 @!p0 $0x1;
	_ =	shalt  }
.Lfunc_end2:
_tile_overlayer_lowered:
.L_overlay_start_2:
0x9a: {  	(tag) =	ssettag $0x2  }
0x9b: {  	s0 =	rddreg [dreg:$0x0];
	s2 =	stileid.u32  }
0x9c: {  	s1 =	rddreg [dreg:$0x1];
	p0 =	sne.s32 s2, $0x0  }
0x9d: {  	s3 =	rddreg [dreg:$0x2];
	[bflag:$0x3] =	sbarrier.arrive $0xFFFF;
	s2 =	simm.s32 @!p0 $0x1C0B  }
0x9e: {  	[timem:s3], [sflag:s2] =	dma.local @!p0 [hbm:s0], s1  }
0x9f: {  	s0 =	simm.s32 @!p0 $0xB  }
0xa0: {  	_ =	swait.ge @!p0 [sflag:s0], s1  }
0xa1: {  	s1 =	ssub.s32 @!p0 $0x0, s1;
	[sflag:s0] =	ssyncset.done @!p0 $0x0  }
0xa2: {  	[sflag:s0] =	ssyncadd.s32 @!p0 s1  }
0xa3: {  	[bflag:$0x3] =	sbarrier.arrive $0xFFFF  }
0xa4: {  	_ =	shalt  }

</sc_bundles>
